<compile_context>
chip_gen: v7x
topology: tpu7x:2x2x1
jax: 0.10.2.dev20260603
libtpu: 0.0.44.dev20260713+nightly
codegen_flags: <defaults>
</compile_context>

<pallas_src>
import functools

import jax
import jax.numpy as jnp
from jax import lax
from jax.experimental import pallas as pl
from jax.experimental.pallas import tpu as pltpu
from jax.experimental.pallas import tpu_sc as plsc

N_NODES = 10000
N_EDGES = 320000
D_FEAT = 128
MAX_HOP = 3

NC = 2
NS = 16
N_PAD = 10240
NODES_PER_CORE = N_PAD // NC
ROWS_PER_TILE = NODES_PER_CORE // NS
DUMP_ROW = NODES_PER_CORE
ACC_ROWS = NODES_PER_CORE + 8
EDGES_PER_TILE = N_EDGES // NS
CHUNK = 80
CHUNKS_RUN = EDGES_PER_TILE // CHUNK
CHUNKS_PAD = CHUNKS_RUN + 2


def _sc_body(table, src_idx, dst_idx, zeros, out, acc, rows, srci, dsti,
             sem0, sem1):
    c = lax.axis_index("c")
    s = lax.axis_index("s")
    sems = (sem0, sem1)

    pltpu.sync_copy(src_idx.at[c, s], srci)
    pltpu.sync_copy(dst_idx.at[s], dsti)

    row0 = s * ROWS_PER_TILE
    out_row0 = c * NODES_PER_CORE + s * ROWS_PER_TILE

    pltpu.sync_copy(zeros, acc.at[pl.ds(row0, ROWS_PER_TILE)])
    plsc.subcore_barrier()

    def drain(b):
        pltpu.make_async_copy(zeros.at[pl.ds(0, CHUNK)], rows.at[b],
                              sems[b]).wait()

    pltpu.async_copy(table.at[dsti.at[0]], rows.at[0], sems[0])

    def ring_body(i, _):
        for b in range(2):
            k = 2 * i + b
            pltpu.async_copy(table.at[dsti.at[k + 1]], rows.at[1 - b],
                             sems[1 - b])
            drain(b)
            pltpu.sync_copy(rows.at[b], acc.at[srci.at[k]], add=True)
        return ()

    lax.fori_loop(0, CHUNKS_RUN // 2, ring_body, ())
    drain(0)

    plsc.subcore_barrier()
    pltpu.sync_copy(acc.at[pl.ds(row0, ROWS_PER_TILE)],
                    out.at[pl.ds(out_row0, ROWS_PER_TILE)])


@functools.partial(
    pl.kernel,
    out_type=jax.ShapeDtypeStruct((N_PAD, D_FEAT), jnp.float32),
    mesh=plsc.VectorSubcoreMesh(core_axis_name="c", subcore_axis_name="s"),
    scratch_types=[
        pltpu.VMEM_SHARED((ACC_ROWS, D_FEAT), jnp.float32),
        pltpu.VMEM((2, CHUNK, D_FEAT), jnp.float32),
        pltpu.VMEM((CHUNKS_RUN, CHUNK), jnp.int32),
        pltpu.VMEM((CHUNKS_PAD, CHUNK), jnp.int32),
        pltpu.SemaphoreType.DMA,
        pltpu.SemaphoreType.DMA,
    ],
)
def _hop_kernel(table, src_idx, dst_idx, zeros, out, acc, rows, srci, dsti,
                sem0, sem1):
    _sc_body(table, src_idx, dst_idx, zeros, out, acc, rows, srci, dsti,
             sem0, sem1)


@functools.partial(
    pl.kernel,
    out_type=jax.ShapeDtypeStruct((N_PAD, D_FEAT), jnp.float32),
    mesh=plsc.VectorSubcoreMesh(core_axis_name="c", subcore_axis_name="s"),
    scratch_types=[pltpu.VMEM((ROWS_PER_TILE, D_FEAT), jnp.float32)],
)
def _linearize(xp, out, buf):
    c = lax.axis_index("c")
    s = lax.axis_index("s")
    r0 = (s * NC + c) * ROWS_PER_TILE
    pltpu.sync_copy(xp.at[pl.ds(r0, ROWS_PER_TILE)], buf)
    pltpu.sync_copy(buf, out.at[pl.ds(r0, ROWS_PER_TILE)])


def kernel(x, edge_index, num_nodes):
    del num_nodes
    src = edge_index[0]
    dst = edge_index[1]
    core = src // NODES_PER_CORE
    local = src - core * NODES_PER_CORE
    srcm = jnp.stack(
        [jnp.where(core == c, local, DUMP_ROW) for c in range(NC)]
    ).reshape(NC, NS, EDGES_PER_TILE)
    srcm = jnp.pad(srcm,
                   ((0, 0), (0, 0), (0, CHUNKS_RUN * CHUNK - EDGES_PER_TILE)),
                   constant_values=DUMP_ROW)
    srcm = srcm.reshape(NC, NS, CHUNKS_RUN, CHUNK)
    dst3 = dst.reshape(NS, EDGES_PER_TILE)
    dst3 = jnp.pad(dst3, ((0, 0), (0, CHUNKS_PAD * CHUNK - EDGES_PER_TILE)))
    dst3 = dst3.reshape(NS, CHUNKS_PAD, CHUNK)
    zeros = jnp.zeros((ROWS_PER_TILE, D_FEAT), jnp.float32)

    table = _linearize(jnp.pad(x, ((0, N_PAD - N_NODES), (0, 0))))
    hops = []
    for _ in range(MAX_HOP):
        table = _hop_kernel(table, srcm, dst3, zeros)
        hops.append(table[:N_NODES])
    y = jnp.stack(hops)
    return jnp.concatenate([x[:, None], jnp.transpose(y, (1, 0, 2))], axis=1)

# --- scband reference (transcript-rebuilt; emitter-appended) ---
"""Pipeline reference for scband-hop2-token-encoder-9509057593839 (READ-ONLY COPY).

The authoritative reference and input builder live on the scoring server;
editing this copy changes nothing except your own understanding.
"""

import jax, jax.numpy as jnp
import numpy as np

MAX_HOP = 3
N_NODES = 10000
N_EDGES = 320000
D_FEAT = 128


def setup_inputs(seed: int = 0) -> dict:
    key = jax.random.key(seed)
    k1, k2 = jax.random.split(key)
    x = jax.random.normal(k1, (N_NODES, D_FEAT), dtype=jnp.float32)
    edge_index = jax.random.randint(k2, (2, N_EDGES), 0, N_NODES, dtype=jnp.int32)
    return {"x": x, "edge_index": edge_index, "num_nodes": N_NODES}


def reference(x, edge_index, num_nodes):
    # adj = sparse_coo(edge_index, ones, (N, N)); duplicate coordinates sum on coalesce,
    # which segment_sum over gathered rows reproduces exactly.
    src = edge_index[0]
    dst = edge_index[1]
    n = x.shape[0]
    row_valid = (jnp.arange(n) < num_nodes)[:, None]
    x_list = [x]
    Ax = x
    for _ in range(MAX_HOP):
        gathered = jnp.take(Ax, dst, axis=0)  # row gather: (E, d)
        Ax = jax.ops.segment_sum(gathered, src, num_segments=n)  # scatter-add to dst rows
        Ax = jnp.where(row_valid, Ax, jnp.zeros_like(Ax))
        x_list.append(Ax)
    token_sequence = jnp.stack(x_list, axis=1)  # (N, max_hop+1, d)
    return token_sequence

if __name__ == "__main__":
    import jax
    _d = setup_inputs()
    print(jax.jit(kernel)(*tuple(_d.values())))

</pallas_src>

<mosaic_0001>
#map = affine_map<(d0, d1) -> (0, 0)>
module attributes {stable_mosaic.version = 14 : i64} {
  func.func @_linearize(%arg0: i32, %arg1: i32, %arg2: memref<10240x128xf32, #tpu.memory_space<hbm>>, %arg3: memref<10240x128xf32, #tpu.memory_space<hbm>>, %arg4: memref<320x128xf32, #tpu.memory_space<vmem>>) attributes {dimension_semantics = [#tpu.dimension_semantics<core_parallel>, #tpu.dimension_semantics<subcore_parallel>], iteration_bounds = array<i64: 2, 16>, scalar_prefetch = 0 : i64, scratch_operands = 1 : i64, tpu.core_type = #tpu.core_type<sc_vector_subcore>, window_params = [{transform_indices = #map}, {transform_indices = #map}]} {
    %mul3A = arith.constant 2 : i32
    %mul3A_0 = arith.muli %arg1, %mul3A : i32
    %add3A = arith.addi %mul3A_0, %arg0 : i32
    %mul3A_1 = arith.constant 320 : i32
    %mul3A_2 = arith.muli %add3A, %mul3A_1 : i32
    "tpu.region"() ({
      %run_scoped3A = tpu.sem_alloc : memref<!tpu.dma_semaphore, #tpu.memory_space<semaphore_mem>>
      %dma_start3A = arith.constant 0 : i32
      %dma_start3A_3 = tpu.memref_slice %arg2[%mul3A_2, %dma_start3A] : memref<10240x128xf32, #tpu.memory_space<hbm>> -> memref<320x128xf32, #tpu.memory_space<hbm>>
      %dma_start3A_4 = arith.constant 0 : i32
      %dma_start3A_5 = tpu.memref_slice %arg2[%mul3A_2, %dma_start3A_4] : memref<10240x128xf32, #tpu.memory_space<hbm>> -> memref<320x128xf32, #tpu.memory_space<hbm>>
      tpu.enqueue_dma source(%dma_start3A_5 : memref<320x128xf32, #tpu.memory_space<hbm>>) target(%arg4 : memref<320x128xf32, #tpu.memory_space<vmem>>) target_semaphore(%run_scoped3A : memref<!tpu.dma_semaphore, #tpu.memory_space<semaphore_mem>>)
      %dma_wait3A = arith.constant 0 : i32
      %dma_wait3A_6 = tpu.memref_slice %arg2[%mul3A_2, %dma_wait3A] : memref<10240x128xf32, #tpu.memory_space<hbm>> -> memref<320x128xf32, #tpu.memory_space<hbm>>
      %dma_wait3A_7 = arith.constant 0 : i32
      %dma_wait3A_8 = tpu.memref_slice %arg2[%mul3A_2, %dma_wait3A_7] : memref<10240x128xf32, #tpu.memory_space<hbm>> -> memref<320x128xf32, #tpu.memory_space<hbm>>
      tpu.wait_dma2 semaphore(%run_scoped3A : memref<!tpu.dma_semaphore, #tpu.memory_space<semaphore_mem>>) src(%dma_wait3A_8 : memref<320x128xf32, #tpu.memory_space<hbm>>) dst(%arg4 : memref<320x128xf32, #tpu.memory_space<vmem>>)
      tpu.yield
    }) : () -> ()
    "tpu.region"() ({
      %run_scoped3A = tpu.sem_alloc : memref<!tpu.dma_semaphore, #tpu.memory_space<semaphore_mem>>
      %dma_start3A = arith.constant 0 : i32
      %dma_start3A_3 = tpu.memref_slice %arg3[%mul3A_2, %dma_start3A] : memref<10240x128xf32, #tpu.memory_space<hbm>> -> memref<320x128xf32, #tpu.memory_space<hbm>>
      %dma_start3A_4 = arith.constant 0 : i32
      %dma_start3A_5 = tpu.memref_slice %arg3[%mul3A_2, %dma_start3A_4] : memref<10240x128xf32, #tpu.memory_space<hbm>> -> memref<320x128xf32, #tpu.memory_space<hbm>>
      tpu.enqueue_dma source(%arg4 : memref<320x128xf32, #tpu.memory_space<vmem>>) target(%dma_start3A_5 : memref<320x128xf32, #tpu.memory_space<hbm>>) target_semaphore(%run_scoped3A : memref<!tpu.dma_semaphore, #tpu.memory_space<semaphore_mem>>)
      %dma_wait3A = arith.constant 0 : i32
      %dma_wait3A_6 = tpu.memref_slice %arg3[%mul3A_2, %dma_wait3A] : memref<10240x128xf32, #tpu.memory_space<hbm>> -> memref<320x128xf32, #tpu.memory_space<hbm>>
      %dma_wait3A_7 = arith.constant 0 : i32
      %dma_wait3A_8 = tpu.memref_slice %arg3[%mul3A_2, %dma_wait3A_7] : memref<10240x128xf32, #tpu.memory_space<hbm>> -> memref<320x128xf32, #tpu.memory_space<hbm>>
      tpu.wait_dma2 semaphore(%run_scoped3A : memref<!tpu.dma_semaphore, #tpu.memory_space<semaphore_mem>>) src(%arg4 : memref<320x128xf32, #tpu.memory_space<vmem>>) dst(%dma_wait3A_8 : memref<320x128xf32, #tpu.memory_space<hbm>>)
      tpu.yield
    }) : () -> ()
    return
  }
}

#map = affine_map<(d0, d1) -> (0, 0)>
#map1 = affine_map<(d0, d1) -> (0, 0, 0, 0)>
#map2 = affine_map<(d0, d1) -> (0, 0, 0)>
module attributes {stable_mosaic.version = 14 : i64} {
  func.func @_hop_kernel(%arg0: i32, %arg1: i32, %arg2: memref<10240x128xf32, #tpu.memory_space<hbm>>, %arg3: memref<2x16x250x80xi32, #tpu.memory_space<hbm>>, %arg4: memref<16x252x80xi32, #tpu.memory_space<hbm>>, %arg5: memref<320x128xf32, #tpu.memory_space<hbm>>, %arg6: memref<10240x128xf32, #tpu.memory_space<hbm>>, %arg7: memref<5128x128xf32, #tpu.memory_space<vmem_shared>>, %arg8: memref<2x80x128xf32, #tpu.memory_space<vmem>>, %arg9: memref<250x80xi32, #tpu.memory_space<vmem>>, %arg10: memref<252x80xi32, #tpu.memory_space<vmem>>, %arg11: memref<!tpu.dma_semaphore, #tpu.memory_space<semaphore_mem>>, %arg12: memref<!tpu.dma_semaphore, #tpu.memory_space<semaphore_mem>>) attributes {dimension_semantics = [#tpu.dimension_semantics<core_parallel>, #tpu.dimension_semantics<subcore_parallel>], iteration_bounds = array<i64: 2, 16>, scalar_prefetch = 0 : i64, scratch_operands = 6 : i64, tpu.core_type = #tpu.core_type<sc_vector_subcore>, window_params = [{transform_indices = #map}, {transform_indices = #map1}, {transform_indices = #map2}, {transform_indices = #map}, {transform_indices = #map}]} {
    "tpu.region"() ({
      %run_scoped3A = tpu.sem_alloc : memref<!tpu.dma_semaphore, #tpu.memory_space<semaphore_mem>>
      %dma_start3A_35 = arith.constant 0 : i32
      %dma_start3A_36 = arith.constant 0 : i32
      %dma_start3A_37 = tpu.memref_slice %arg3[%arg0, %arg1, %dma_start3A_35, %dma_start3A_36] : memref<2x16x250x80xi32, #tpu.memory_space<hbm>> -> memref<1x1x250x80xi32, #tpu.memory_space<hbm>>
      %dma_start3A_38 = tpu.memref_squeeze %dma_start3A_37 : memref<1x1x250x80xi32, #tpu.memory_space<hbm>> -> memref<250x80xi32, #tpu.memory_space<hbm>>
      %dma_start3A_39 = arith.constant 0 : i32
      %dma_start3A_40 = arith.constant 0 : i32
      %dma_start3A_41 = tpu.memref_slice %arg3[%arg0, %arg1, %dma_start3A_39, %dma_start3A_40] : memref<2x16x250x80xi32, #tpu.memory_space<hbm>> -> memref<1x1x250x80xi32, #tpu.memory_space<hbm>>
      %dma_start3A_42 = tpu.memref_squeeze %dma_start3A_41 : memref<1x1x250x80xi32, #tpu.memory_space<hbm>> -> memref<250x80xi32, #tpu.memory_space<hbm>>
      tpu.enqueue_dma source(%dma_start3A_42 : memref<250x80xi32, #tpu.memory_space<hbm>>) target(%arg9 : memref<250x80xi32, #tpu.memory_space<vmem>>) target_semaphore(%run_scoped3A : memref<!tpu.dma_semaphore, #tpu.memory_space<semaphore_mem>>)
      %dma_wait3A_43 = arith.constant 0 : i32
      %dma_wait3A_44 = arith.constant 0 : i32
      %dma_wait3A_45 = tpu.memref_slice %arg3[%arg0, %arg1, %dma_wait3A_43, %dma_wait3A_44] : memref<2x16x250x80xi32, #tpu.memory_space<hbm>> -> memref<1x1x250x80xi32, #tpu.memory_space<hbm>>
      %dma_wait3A_46 = tpu.memref_squeeze %dma_wait3A_45 : memref<1x1x250x80xi32, #tpu.memory_space<hbm>> -> memref<250x80xi32, #tpu.memory_space<hbm>>
      %dma_wait3A_47 = arith.constant 0 : i32
      %dma_wait3A_48 = arith.constant 0 : i32
      %dma_wait3A_49 = tpu.memref_slice %arg3[%arg0, %arg1, %dma_wait3A_47, %dma_wait3A_48] : memref<2x16x250x80xi32, #tpu.memory_space<hbm>> -> memref<1x1x250x80xi32, #tpu.memory_space<hbm>>
      %dma_wait3A_50 = tpu.memref_squeeze %dma_wait3A_49 : memref<1x1x250x80xi32, #tpu.memory_space<hbm>> -> memref<250x80xi32, #tpu.memory_space<hbm>>
      tpu.wait_dma2 semaphore(%run_scoped3A : memref<!tpu.dma_semaphore, #tpu.memory_space<semaphore_mem>>) src(%dma_wait3A_50 : memref<250x80xi32, #tpu.memory_space<hbm>>) dst(%arg9 : memref<250x80xi32, #tpu.memory_space<vmem>>)
      tpu.yield
    }) : () -> ()
    "tpu.region"() ({
      %run_scoped3A = tpu.sem_alloc : memref<!tpu.dma_semaphore, #tpu.memory_space<semaphore_mem>>
      %dma_start3A_35 = arith.constant 0 : i32
      %dma_start3A_36 = arith.constant 0 : i32
      %dma_start3A_37 = tpu.memref_slice %arg4[%arg1, %dma_start3A_35, %dma_start3A_36] : memref<16x252x80xi32, #tpu.memory_space<hbm>> -> memref<1x252x80xi32, #tpu.memory_space<hbm>>
      %dma_start3A_38 = tpu.memref_squeeze %dma_start3A_37 : memref<1x252x80xi32, #tpu.memory_space<hbm>> -> memref<252x80xi32, #tpu.memory_space<hbm>>
      %dma_start3A_39 = arith.constant 0 : i32
      %dma_start3A_40 = arith.constant 0 : i32
      %dma_start3A_41 = tpu.memref_slice %arg4[%arg1, %dma_start3A_39, %dma_start3A_40] : memref<16x252x80xi32, #tpu.memory_space<hbm>> -> memref<1x252x80xi32, #tpu.memory_space<hbm>>
      %dma_start3A_42 = tpu.memref_squeeze %dma_start3A_41 : memref<1x252x80xi32, #tpu.memory_space<hbm>> -> memref<252x80xi32, #tpu.memory_space<hbm>>
      tpu.enqueue_dma source(%dma_start3A_42 : memref<252x80xi32, #tpu.memory_space<hbm>>) target(%arg10 : memref<252x80xi32, #tpu.memory_space<vmem>>) target_semaphore(%run_scoped3A : memref<!tpu.dma_semaphore, #tpu.memory_space<semaphore_mem>>)
      %dma_wait3A_43 = arith.constant 0 : i32
      %dma_wait3A_44 = arith.constant 0 : i32
      %dma_wait3A_45 = tpu.memref_slice %arg4[%arg1, %dma_wait3A_43, %dma_wait3A_44] : memref<16x252x80xi32, #tpu.memory_space<hbm>> -> memref<1x252x80xi32, #tpu.memory_space<hbm>>
      %dma_wait3A_46 = tpu.memref_squeeze %dma_wait3A_45 : memref<1x252x80xi32, #tpu.memory_space<hbm>> -> memref<252x80xi32, #tpu.memory_space<hbm>>
      %dma_wait3A_47 = arith.constant 0 : i32
      %dma_wait3A_48 = arith.constant 0 : i32
      %dma_wait3A_49 = tpu.memref_slice %arg4[%arg1, %dma_wait3A_47, %dma_wait3A_48] : memref<16x252x80xi32, #tpu.memory_space<hbm>> -> memref<1x252x80xi32, #tpu.memory_space<hbm>>
      %dma_wait3A_50 = tpu.memref_squeeze %dma_wait3A_49 : memref<1x252x80xi32, #tpu.memory_space<hbm>> -> memref<252x80xi32, #tpu.memory_space<hbm>>
      tpu.wait_dma2 semaphore(%run_scoped3A : memref<!tpu.dma_semaphore, #tpu.memory_space<semaphore_mem>>) src(%dma_wait3A_50 : memref<252x80xi32, #tpu.memory_space<hbm>>) dst(%arg10 : memref<252x80xi32, #tpu.memory_space<vmem>>)
      tpu.yield
    }) : () -> ()
    %mul3A = arith.constant 320 : i32
    %mul3A_0 = arith.muli %arg1, %mul3A : i32
    %mul3A_1 = arith.constant 5120 : i32
    %mul3A_2 = arith.muli %arg0, %mul3A_1 : i32
    %mul3A_3 = arith.constant 320 : i32
    %mul3A_4 = arith.muli %arg1, %mul3A_3 : i32
    %add3A = arith.addi %mul3A_2, %mul3A_4 : i32
    "tpu.region"() ({
      %run_scoped3A = tpu.sem_alloc : memref<!tpu.dma_semaphore, #tpu.memory_space<semaphore_mem>>
      %dma_start3A_35 = arith.constant 0 : i32
      %dma_start3A_36 = tpu.memref_slice %arg7[%mul3A_0, %dma_start3A_35] : memref<5128x128xf32, #tpu.memory_space<vmem_shared>> -> memref<320x128xf32, #tpu.memory_space<vmem_shared>>
      tpu.enqueue_dma source(%arg5 : memref<320x128xf32, #tpu.memory_space<hbm>>) target(%dma_start3A_36 : memref<320x128xf32, #tpu.memory_space<vmem_shared>>) target_semaphore(%run_scoped3A : memref<!tpu.dma_semaphore, #tpu.memory_space<semaphore_mem>>)
      %dma_wait3A_37 = arith.constant 0 : i32
      %dma_wait3A_38 = tpu.memref_slice %arg7[%mul3A_0, %dma_wait3A_37] : memref<5128x128xf32, #tpu.memory_space<vmem_shared>> -> memref<320x128xf32, #tpu.memory_space<vmem_shared>>
      tpu.wait_dma2 semaphore(%run_scoped3A : memref<!tpu.dma_semaphore, #tpu.memory_space<semaphore_mem>>) src(%arg5 : memref<320x128xf32, #tpu.memory_space<hbm>>) dst(%dma_wait3A_38 : memref<320x128xf32, #tpu.memory_space<vmem_shared>>)
      tpu.yield
    }) : () -> ()
    %barrier3A = arith.constant 0 : index
    tpu.barrier barrier_id(%barrier3A)
    %dma_start3A = arith.constant 0 : i32
    %dma_start3A_5 = arith.constant 0 : i32
    %dma_start3A_6 = arith.constant 0 : i32
    %dma_start3A_7 = arith.constant 0 : i32
    %dma_start3A_8 = tpu.memref_slice %arg8[%dma_start3A_5, %dma_start3A_6, %dma_start3A_7] : memref<2x80x128xf32, #tpu.memory_space<vmem>> -> memref<1x80x128xf32, #tpu.memory_space<vmem>>
    %dma_start3A_9 = tpu.memref_squeeze %dma_start3A_8 : memref<1x80x128xf32, #tpu.memory_space<vmem>> -> memref<80x128xf32, #tpu.memory_space<vmem>>
    %dma_start3A_10 = arith.constant 0 : i32
    %dma_start3A_11 = tpu.memref_slice %arg10[%dma_start3A, %dma_start3A_10] : memref<252x80xi32, #tpu.memory_space<vmem>> -> memref<1x80xi32, #tpu.memory_space<vmem>>
    %dma_start3A_12 = tpu.memref_squeeze %dma_start3A_11 : memref<1x80xi32, #tpu.memory_space<vmem>> -> memref<80xi32, #tpu.memory_space<vmem>>
    %dma_start3A_13 = arith.constant 0 : i32
    %dma_start3A_14 = arith.constant 0 : i32
    %dma_start3A_15 = tpu.memref_slice %arg2[%dma_start3A_13, %dma_start3A_14] : memref<10240x128xf32, #tpu.memory_space<hbm>> -> memref<10240x128xf32, #tpu.memory_space<hbm>>
    tpu.enqueue_indirect_dma source(%dma_start3A_15 : memref<10240x128xf32, #tpu.memory_space<hbm>>) target(%dma_start3A_9 : memref<80x128xf32, #tpu.memory_space<vmem>>) offsets(%dma_start3A_12 : memref<80xi32, #tpu.memory_space<vmem>>) semaphore(%arg11 : memref<!tpu.dma_semaphore, #tpu.memory_space<semaphore_mem>>)
    %scan3A = arith.constant 0 : i32
    %scan3A_16 = arith.constant 125 : i32
    %scan3A_17 = arith.addi %scan3A, %scan3A_16 : i32
    %scan3A_18 = arith.constant 1 : i32
    scf.for %scan3A_35 = %scan3A to %scan3A_17 step %scan3A_18  : i32 {
      %mul3A_36 = arith.constant 2 : i32
      %mul3A_37 = arith.muli %mul3A_36, %scan3A_35 : i32
      %add3A_38 = arith.constant 0 : i32
      %add3A_39 = arith.addi %mul3A_37, %add3A_38 : i32
      %add3A_40 = arith.constant 1 : i32
      %add3A_41 = arith.addi %add3A_39, %add3A_40 : i32
      %dma_start3A_42 = arith.constant 1 : i32
      %dma_start3A_43 = arith.constant 0 : i32
      %dma_start3A_44 = arith.constant 0 : i32
      %dma_start3A_45 = tpu.memref_slice %arg8[%dma_start3A_42, %dma_start3A_43, %dma_start3A_44] : memref<2x80x128xf32, #tpu.memory_space<vmem>> -> memref<1x80x128xf32, #tpu.memory_space<vmem>>
      %dma_start3A_46 = tpu.memref_squeeze %dma_start3A_45 : memref<1x80x128xf32, #tpu.memory_space<vmem>> -> memref<80x128xf32, #tpu.memory_space<vmem>>
      %dma_start3A_47 = arith.constant 0 : i32
      %dma_start3A_48 = tpu.memref_slice %arg10[%add3A_41, %dma_start3A_47] : memref<252x80xi32, #tpu.memory_space<vmem>> -> memref<1x80xi32, #tpu.memory_space<vmem>>
      %dma_start3A_49 = tpu.memref_squeeze %dma_start3A_48 : memref<1x80xi32, #tpu.memory_space<vmem>> -> memref<80xi32, #tpu.memory_space<vmem>>
      %dma_start3A_50 = arith.constant 0 : i32
      %dma_start3A_51 = arith.constant 0 : i32
      %dma_start3A_52 = tpu.memref_slice %arg2[%dma_start3A_50, %dma_start3A_51] : memref<10240x128xf32, #tpu.memory_space<hbm>> -> memref<10240x128xf32, #tpu.memory_space<hbm>>
      tpu.enqueue_indirect_dma source(%dma_start3A_52 : memref<10240x128xf32, #tpu.memory_space<hbm>>) target(%dma_start3A_46 : memref<80x128xf32, #tpu.memory_space<vmem>>) offsets(%dma_start3A_49 : memref<80xi32, #tpu.memory_space<vmem>>) semaphore(%arg12 : memref<!tpu.dma_semaphore, #tpu.memory_space<semaphore_mem>>)
      %dma_wait3A_53 = arith.constant 0 : i32
      %dma_wait3A_54 = arith.constant 0 : i32
      %dma_wait3A_55 = arith.constant 0 : i32
      %dma_wait3A_56 = tpu.memref_slice %arg8[%dma_wait3A_53, %dma_wait3A_54, %dma_wait3A_55] : memref<2x80x128xf32, #tpu.memory_space<vmem>> -> memref<1x80x128xf32, #tpu.memory_space<vmem>>
      %dma_wait3A_57 = tpu.memref_squeeze %dma_wait3A_56 : memref<1x80x128xf32, #tpu.memory_space<vmem>> -> memref<80x128xf32, #tpu.memory_space<vmem>>
      %dma_wait3A_58 = arith.constant 0 : i32
      %dma_wait3A_59 = arith.constant 0 : i32
      %dma_wait3A_60 = tpu.memref_slice %arg5[%dma_wait3A_58, %dma_wait3A_59] : memref<320x128xf32, #tpu.memory_space<hbm>> -> memref<80x128xf32, #tpu.memory_space<hbm>>
      %dma_wait3A_61 = arith.constant 0 : i32
      %dma_wait3A_62 = arith.constant 0 : i32
      %dma_wait3A_63 = tpu.memref_slice %arg8[%dma_wait3A_53, %dma_wait3A_61, %dma_wait3A_62] : memref<2x80x128xf32, #tpu.memory_space<vmem>> -> memref<1x80x128xf32, #tpu.memory_space<vmem>>
      %dma_wait3A_64 = tpu.memref_squeeze %dma_wait3A_63 : memref<1x80x128xf32, #tpu.memory_space<vmem>> -> memref<80x128xf32, #tpu.memory_space<vmem>>
      %dma_wait3A_65 = arith.constant 0 : i32
      %dma_wait3A_66 = arith.constant 0 : i32
      %dma_wait3A_67 = tpu.memref_slice %arg5[%dma_wait3A_65, %dma_wait3A_66] : memref<320x128xf32, #tpu.memory_space<hbm>> -> memref<80x128xf32, #tpu.memory_space<hbm>>
      tpu.wait_dma2 semaphore(%arg11 : memref<!tpu.dma_semaphore, #tpu.memory_space<semaphore_mem>>) src(%dma_wait3A_67 : memref<80x128xf32, #tpu.memory_space<hbm>>) dst(%dma_wait3A_64 : memref<80x128xf32, #tpu.memory_space<vmem>>)
      %run_scoped3A = arith.constant 0 : i32
      "tpu.region"() ({
        %run_scoped3A_101 = tpu.sem_alloc : memref<!tpu.dma_semaphore, #tpu.memory_space<semaphore_mem>>
        %dma_start3A_102 = arith.constant 0 : i32
        %dma_start3A_103 = arith.constant 0 : i32
        %dma_start3A_104 = tpu.memref_slice %arg8[%run_scoped3A, %dma_start3A_102, %dma_start3A_103] : memref<2x80x128xf32, #tpu.memory_space<vmem>> -> memref<1x80x128xf32, #tpu.memory_space<vmem>>
        %dma_start3A_105 = tpu.memref_squeeze %dma_start3A_104 : memref<1x80x128xf32, #tpu.memory_space<vmem>> -> memref<80x128xf32, #tpu.memory_space<vmem>>
        %dma_start3A_106 = arith.constant 0 : i32
        %dma_start3A_107 = tpu.memref_slice %arg9[%add3A_39, %dma_start3A_106] : memref<250x80xi32, #tpu.memory_space<vmem>> -> memref<1x80xi32, #tpu.memory_space<vmem>>
        %dma_start3A_108 = tpu.memref_squeeze %dma_start3A_107 : memref<1x80xi32, #tpu.memory_space<vmem>> -> memref<80xi32, #tpu.memory_space<vmem>>
        %dma_start3A_109 = arith.constant 0 : i32
        %dma_start3A_110 = arith.constant 0 : i32
        %dma_start3A_111 = tpu.memref_slice %arg7[%dma_start3A_109, %dma_start3A_110] : memref<5128x128xf32, #tpu.memory_space<vmem_shared>> -> memref<5128x128xf32, #tpu.memory_space<vmem_shared>>
        tpu.enqueue_indirect_dma source(%dma_start3A_105 : memref<80x128xf32, #tpu.memory_space<vmem>>) target(%dma_start3A_111 : memref<5128x128xf32, #tpu.memory_space<vmem_shared>>) offsets(%dma_start3A_108 : memref<80xi32, #tpu.memory_space<vmem>>) semaphore(%run_scoped3A_101 : memref<!tpu.dma_semaphore, #tpu.memory_space<semaphore_mem>>) {add = true}
        %dma_wait3A_112 = arith.constant 0 : i32
        %dma_wait3A_113 = arith.constant 0 : i32
        %dma_wait3A_114 = tpu.memref_slice %arg8[%run_scoped3A, %dma_wait3A_112, %dma_wait3A_113] : memref<2x80x128xf32, #tpu.memory_space<vmem>> -> memref<1x80x128xf32, #tpu.memory_space<vmem>>
        %dma_wait3A_115 = tpu.memref_squeeze %dma_wait3A_114 : memref<1x80x128xf32, #tpu.memory_space<vmem>> -> memref<80x128xf32, #tpu.memory_space<vmem>>
        %dma_wait3A_116 = arith.constant 0 : i32
        %dma_wait3A_117 = tpu.memref_slice %arg9[%add3A_39, %dma_wait3A_116] : memref<250x80xi32, #tpu.memory_space<vmem>> -> memref<1x80xi32, #tpu.memory_space<vmem>>
        %dma_wait3A_118 = tpu.memref_squeeze %dma_wait3A_117 : memref<1x80xi32, #tpu.memory_space<vmem>> -> memref<80xi32, #tpu.memory_space<vmem>>
        %dma_wait3A_119 = arith.constant 0 : i32
        %dma_wait3A_120 = arith.constant 0 : i32
        %dma_wait3A_121 = tpu.memref_slice %arg7[%dma_wait3A_119, %dma_wait3A_120] : memref<5128x128xf32, #tpu.memory_space<vmem_shared>> -> memref<5128x128xf32, #tpu.memory_space<vmem_shared>>
        tpu.wait_indirect_dma semaphore(%run_scoped3A_101 : memref<!tpu.dma_semaphore, #tpu.memory_space<semaphore_mem>>) src(%dma_wait3A_115 : memref<80x128xf32, #tpu.memory_space<vmem>>) dst(%dma_wait3A_121 : memref<5128x128xf32, #tpu.memory_space<vmem_shared>>)
        tpu.yield
      }) : () -> ()
      %mul3A_68 = arith.constant 2 : i32
      %mul3A_69 = arith.muli %mul3A_68, %scan3A_35 : i32
      %add3A_70 = arith.constant 1 : i32
      %add3A_71 = arith.addi %mul3A_69, %add3A_70 : i32
      %add3A_72 = arith.constant 1 : i32
      %add3A_73 = arith.addi %add3A_71, %add3A_72 : i32
      %dma_start3A_74 = arith.constant 0 : i32
      %dma_start3A_75 = arith.constant 0 : i32
      %dma_start3A_76 = arith.constant 0 : i32
      %dma_start3A_77 = tpu.memref_slice %arg8[%dma_start3A_74, %dma_start3A_75, %dma_start3A_76] : memref<2x80x128xf32, #tpu.memory_space<vmem>> -> memref<1x80x128xf32, #tpu.memory_space<vmem>>
      %dma_start3A_78 = tpu.memref_squeeze %dma_start3A_77 : memref<1x80x128xf32, #tpu.memory_space<vmem>> -> memref<80x128xf32, #tpu.memory_space<vmem>>
      %dma_start3A_79 = arith.constant 0 : i32
      %dma_start3A_80 = tpu.memref_slice %arg10[%add3A_73, %dma_start3A_79] : memref<252x80xi32, #tpu.memory_space<vmem>> -> memref<1x80xi32, #tpu.memory_space<vmem>>
      %dma_start3A_81 = tpu.memref_squeeze %dma_start3A_80 : memref<1x80xi32, #tpu.memory_space<vmem>> -> memref<80xi32, #tpu.memory_space<vmem>>
      %dma_start3A_82 = arith.constant 0 : i32
      %dma_start3A_83 = arith.constant 0 : i32
      %dma_start3A_84 = tpu.memref_slice %arg2[%dma_start3A_82, %dma_start3A_83] : memref<10240x128xf32, #tpu.memory_space<hbm>> -> memref<10240x128xf32, #tpu.memory_space<hbm>>
      tpu.enqueue_indirect_dma source(%dma_start3A_84 : memref<10240x128xf32, #tpu.memory_space<hbm>>) target(%dma_start3A_78 : memref<80x128xf32, #tpu.memory_space<vmem>>) offsets(%dma_start3A_81 : memref<80xi32, #tpu.memory_space<vmem>>) semaphore(%arg11 : memref<!tpu.dma_semaphore, #tpu.memory_space<semaphore_mem>>)
      %dma_wait3A_85 = arith.constant 1 : i32
      %dma_wait3A_86 = arith.constant 0 : i32
      %dma_wait3A_87 = arith.constant 0 : i32
      %dma_wait3A_88 = tpu.memref_slice %arg8[%dma_wait3A_85, %dma_wait3A_86, %dma_wait3A_87] : memref<2x80x128xf32, #tpu.memory_space<vmem>> -> memref<1x80x128xf32, #tpu.memory_space<vmem>>
      %dma_wait3A_89 = tpu.memref_squeeze %dma_wait3A_88 : memref<1x80x128xf32, #tpu.memory_space<vmem>> -> memref<80x128xf32, #tpu.memory_space<vmem>>
      %dma_wait3A_90 = arith.constant 0 : i32
      %dma_wait3A_91 = arith.constant 0 : i32
      %dma_wait3A_92 = tpu.memref_slice %arg5[%dma_wait3A_90, %dma_wait3A_91] : memref<320x128xf32, #tpu.memory_space<hbm>> -> memref<80x128xf32, #tpu.memory_space<hbm>>
      %dma_wait3A_93 = arith.constant 0 : i32
      %dma_wait3A_94 = arith.constant 0 : i32
      %dma_wait3A_95 = tpu.memref_slice %arg8[%dma_wait3A_85, %dma_wait3A_93, %dma_wait3A_94] : memref<2x80x128xf32, #tpu.memory_space<vmem>> -> memref<1x80x128xf32, #tpu.memory_space<vmem>>
      %dma_wait3A_96 = tpu.memref_squeeze %dma_wait3A_95 : memref<1x80x128xf32, #tpu.memory_space<vmem>> -> memref<80x128xf32, #tpu.memory_space<vmem>>
      %dma_wait3A_97 = arith.constant 0 : i32
      %dma_wait3A_98 = arith.constant 0 : i32
      %dma_wait3A_99 = tpu.memref_slice %arg5[%dma_wait3A_97, %dma_wait3A_98] : memref<320x128xf32, #tpu.memory_space<hbm>> -> memref<80x128xf32, #tpu.memory_space<hbm>>
      tpu.wait_dma2 semaphore(%arg12 : memref<!tpu.dma_semaphore, #tpu.memory_space<semaphore_mem>>) src(%dma_wait3A_99 : memref<80x128xf32, #tpu.memory_space<hbm>>) dst(%dma_wait3A_96 : memref<80x128xf32, #tpu.memory_space<vmem>>)
      %run_scoped3A_100 = arith.constant 1 : i32
      "tpu.region"() ({
        %run_scoped3A_101 = tpu.sem_alloc : memref<!tpu.dma_semaphore, #tpu.memory_space<semaphore_mem>>
        %dma_start3A_102 = arith.constant 0 : i32
        %dma_start3A_103 = arith.constant 0 : i32
        %dma_start3A_104 = tpu.memref_slice %arg8[%run_scoped3A_100, %dma_start3A_102, %dma_start3A_103] : memref<2x80x128xf32, #tpu.memory_space<vmem>> -> memref<1x80x128xf32, #tpu.memory_space<vmem>>
        %dma_start3A_105 = tpu.memref_squeeze %dma_start3A_104 : memref<1x80x128xf32, #tpu.memory_space<vmem>> -> memref<80x128xf32, #tpu.memory_space<vmem>>
        %dma_start3A_106 = arith.constant 0 : i32
        %dma_start3A_107 = tpu.memref_slice %arg9[%add3A_71, %dma_start3A_106] : memref<250x80xi32, #tpu.memory_space<vmem>> -> memref<1x80xi32, #tpu.memory_space<vmem>>
        %dma_start3A_108 = tpu.memref_squeeze %dma_start3A_107 : memref<1x80xi32, #tpu.memory_space<vmem>> -> memref<80xi32, #tpu.memory_space<vmem>>
        %dma_start3A_109 = arith.constant 0 : i32
        %dma_start3A_110 = arith.constant 0 : i32
        %dma_start3A_111 = tpu.memref_slice %arg7[%dma_start3A_109, %dma_start3A_110] : memref<5128x128xf32, #tpu.memory_space<vmem_shared>> -> memref<5128x128xf32, #tpu.memory_space<vmem_shared>>
        tpu.enqueue_indirect_dma source(%dma_start3A_105 : memref<80x128xf32, #tpu.memory_space<vmem>>) target(%dma_start3A_111 : memref<5128x128xf32, #tpu.memory_space<vmem_shared>>) offsets(%dma_start3A_108 : memref<80xi32, #tpu.memory_space<vmem>>) semaphore(%run_scoped3A_101 : memref<!tpu.dma_semaphore, #tpu.memory_space<semaphore_mem>>) {add = true}
        %dma_wait3A_112 = arith.constant 0 : i32
        %dma_wait3A_113 = arith.constant 0 : i32
        %dma_wait3A_114 = tpu.memref_slice %arg8[%run_scoped3A_100, %dma_wait3A_112, %dma_wait3A_113] : memref<2x80x128xf32, #tpu.memory_space<vmem>> -> memref<1x80x128xf32, #tpu.memory_space<vmem>>
        %dma_wait3A_115 = tpu.memref_squeeze %dma_wait3A_114 : memref<1x80x128xf32, #tpu.memory_space<vmem>> -> memref<80x128xf32, #tpu.memory_space<vmem>>
        %dma_wait3A_116 = arith.constant 0 : i32
        %dma_wait3A_117 = tpu.memref_slice %arg9[%add3A_71, %dma_wait3A_116] : memref<250x80xi32, #tpu.memory_space<vmem>> -> memref<1x80xi32, #tpu.memory_space<vmem>>
        %dma_wait3A_118 = tpu.memref_squeeze %dma_wait3A_117 : memref<1x80xi32, #tpu.memory_space<vmem>> -> memref<80xi32, #tpu.memory_space<vmem>>
        %dma_wait3A_119 = arith.constant 0 : i32
        %dma_wait3A_120 = arith.constant 0 : i32
        %dma_wait3A_121 = tpu.memref_slice %arg7[%dma_wait3A_119, %dma_wait3A_120] : memref<5128x128xf32, #tpu.memory_space<vmem_shared>> -> memref<5128x128xf32, #tpu.memory_space<vmem_shared>>
        tpu.wait_indirect_dma semaphore(%run_scoped3A_101 : memref<!tpu.dma_semaphore, #tpu.memory_space<semaphore_mem>>) src(%dma_wait3A_115 : memref<80x128xf32, #tpu.memory_space<vmem>>) dst(%dma_wait3A_121 : memref<5128x128xf32, #tpu.memory_space<vmem_shared>>)
        tpu.yield
      }) : () -> ()
    }
    %scan3A_19 = arith.constant 125 : i32
    %dma_wait3A = arith.constant 0 : i32
    %dma_wait3A_20 = arith.constant 0 : i32
    %dma_wait3A_21 = arith.constant 0 : i32
    %dma_wait3A_22 = tpu.memref_slice %arg8[%dma_wait3A, %dma_wait3A_20, %dma_wait3A_21] : memref<2x80x128xf32, #tpu.memory_space<vmem>> -> memref<1x80x128xf32, #tpu.memory_space<vmem>>
    %dma_wait3A_23 = tpu.memref_squeeze %dma_wait3A_22 : memref<1x80x128xf32, #tpu.memory_space<vmem>> -> memref<80x128xf32, #tpu.memory_space<vmem>>
    %dma_wait3A_24 = arith.constant 0 : i32
    %dma_wait3A_25 = arith.constant 0 : i32
    %dma_wait3A_26 = tpu.memref_slice %arg5[%dma_wait3A_24, %dma_wait3A_25] : memref<320x128xf32, #tpu.memory_space<hbm>> -> memref<80x128xf32, #tpu.memory_space<hbm>>
    %dma_wait3A_27 = arith.constant 0 : i32
    %dma_wait3A_28 = arith.constant 0 : i32
    %dma_wait3A_29 = tpu.memref_slice %arg8[%dma_wait3A, %dma_wait3A_27, %dma_wait3A_28] : memref<2x80x128xf32, #tpu.memory_space<vmem>> -> memref<1x80x128xf32, #tpu.memory_space<vmem>>
    %dma_wait3A_30 = tpu.memref_squeeze %dma_wait3A_29 : memref<1x80x128xf32, #tpu.memory_space<vmem>> -> memref<80x128xf32, #tpu.memory_space<vmem>>
    %dma_wait3A_31 = arith.constant 0 : i32
    %dma_wait3A_32 = arith.constant 0 : i32
    %dma_wait3A_33 = tpu.memref_slice %arg5[%dma_wait3A_31, %dma_wait3A_32] : memref<320x128xf32, #tpu.memory_space<hbm>> -> memref<80x128xf32, #tpu.memory_space<hbm>>
    tpu.wait_dma2 semaphore(%arg11 : memref<!tpu.dma_semaphore, #tpu.memory_space<semaphore_mem>>) src(%dma_wait3A_33 : memref<80x128xf32, #tpu.memory_space<hbm>>) dst(%dma_wait3A_30 : memref<80x128xf32, #tpu.memory_space<vmem>>)
    %barrier3A_34 = arith.constant 0 : index
    tpu.barrier barrier_id(%barrier3A_34)
    "tpu.region"() ({
      %run_scoped3A = tpu.sem_alloc : memref<!tpu.dma_semaphore, #tpu.memory_space<semaphore_mem>>
      %dma_start3A_35 = arith.constant 0 : i32
      %dma_start3A_36 = tpu.memref_slice %arg6[%add3A, %dma_start3A_35] : memref<10240x128xf32, #tpu.memory_space<hbm>> -> memref<320x128xf32, #tpu.memory_space<hbm>>
      %dma_start3A_37 = arith.constant 0 : i32
      %dma_start3A_38 = tpu.memref_slice %arg7[%mul3A_0, %dma_start3A_37] : memref<5128x128xf32, #tpu.memory_space<vmem_shared>> -> memref<320x128xf32, #tpu.memory_space<vmem_shared>>
      tpu.enqueue_dma source(%dma_start3A_38 : memref<320x128xf32, #tpu.memory_space<vmem_shared>>) target(%dma_start3A_36 : memref<320x128xf32, #tpu.memory_space<hbm>>) target_semaphore(%run_scoped3A : memref<!tpu.dma_semaphore, #tpu.memory_space<semaphore_mem>>)
      %dma_wait3A_39 = arith.constant 0 : i32
      %dma_wait3A_40 = tpu.memref_slice %arg6[%add3A, %dma_wait3A_39] : memref<10240x128xf32, #tpu.memory_space<hbm>> -> memref<320x128xf32, #tpu.memory_space<hbm>>
      %dma_wait3A_41 = arith.constant 0 : i32
      %dma_wait3A_42 = tpu.memref_slice %arg7[%mul3A_0, %dma_wait3A_41] : memref<5128x128xf32, #tpu.memory_space<vmem_shared>> -> memref<320x128xf32, #tpu.memory_space<vmem_shared>>
      tpu.wait_dma2 semaphore(%run_scoped3A : memref<!tpu.dma_semaphore, #tpu.memory_space<semaphore_mem>>) src(%dma_wait3A_42 : memref<320x128xf32, #tpu.memory_space<vmem_shared>>) dst(%dma_wait3A_40 : memref<320x128xf32, #tpu.memory_space<hbm>>)
      tpu.yield
    }) : () -> ()
    return
  }
}

#map = affine_map<(d0, d1) -> (0, 0)>
#map1 = affine_map<(d0, d1) -> (0, 0, 0, 0)>
#map2 = affine_map<(d0, d1) -> (0, 0, 0)>
module attributes {stable_mosaic.version = 14 : i64} {
  func.func @_hop_kernel(%arg0: i32, %arg1: i32, %arg2: memref<10240x128xf32, #tpu.memory_space<hbm>>, %arg3: memref<2x16x250x80xi32, #tpu.memory_space<hbm>>, %arg4: memref<16x252x80xi32, #tpu.memory_space<hbm>>, %arg5: memref<320x128xf32, #tpu.memory_space<hbm>>, %arg6: memref<10240x128xf32, #tpu.memory_space<hbm>>, %arg7: memref<5128x128xf32, #tpu.memory_space<vmem_shared>>, %arg8: memref<2x80x128xf32, #tpu.memory_space<vmem>>, %arg9: memref<250x80xi32, #tpu.memory_space<vmem>>, %arg10: memref<252x80xi32, #tpu.memory_space<vmem>>, %arg11: memref<!tpu.dma_semaphore, #tpu.memory_space<semaphore_mem>>, %arg12: memref<!tpu.dma_semaphore, #tpu.memory_space<semaphore_mem>>) attributes {dimension_semantics = [#tpu.dimension_semantics<core_parallel>, #tpu.dimension_semantics<subcore_parallel>], iteration_bounds = array<i64: 2, 16>, scalar_prefetch = 0 : i64, scratch_operands = 6 : i64, tpu.core_type = #tpu.core_type<sc_vector_subcore>, window_params = [{transform_indices = #map}, {transform_indices = #map1}, {transform_indices = #map2}, {transform_indices = #map}, {transform_indices = #map}]} {
    "tpu.region"() ({
      %run_scoped3A = tpu.sem_alloc : memref<!tpu.dma_semaphore, #tpu.memory_space<semaphore_mem>>
      %dma_start3A_35 = arith.constant 0 : i32
      %dma_start3A_36 = arith.constant 0 : i32
      %dma_start3A_37 = tpu.memref_slice %arg3[%arg0, %arg1, %dma_start3A_35, %dma_start3A_36] : memref<2x16x250x80xi32, #tpu.memory_space<hbm>> -> memref<1x1x250x80xi32, #tpu.memory_space<hbm>>
      %dma_start3A_38 = tpu.memref_squeeze %dma_start3A_37 : memref<1x1x250x80xi32, #tpu.memory_space<hbm>> -> memref<250x80xi32, #tpu.memory_space<hbm>>
      %dma_start3A_39 = arith.constant 0 : i32
      %dma_start3A_40 = arith.constant 0 : i32
      %dma_start3A_41 = tpu.memref_slice %arg3[%arg0, %arg1, %dma_start3A_39, %dma_start3A_40] : memref<2x16x250x80xi32, #tpu.memory_space<hbm>> -> memref<1x1x250x80xi32, #tpu.memory_space<hbm>>
      %dma_start3A_42 = tpu.memref_squeeze %dma_start3A_41 : memref<1x1x250x80xi32, #tpu.memory_space<hbm>> -> memref<250x80xi32, #tpu.memory_space<hbm>>
      tpu.enqueue_dma source(%dma_start3A_42 : memref<250x80xi32, #tpu.memory_space<hbm>>) target(%arg9 : memref<250x80xi32, #tpu.memory_space<vmem>>) target_semaphore(%run_scoped3A : memref<!tpu.dma_semaphore, #tpu.memory_space<semaphore_mem>>)
      %dma_wait3A_43 = arith.constant 0 : i32
      %dma_wait3A_44 = arith.constant 0 : i32
      %dma_wait3A_45 = tpu.memref_slice %arg3[%arg0, %arg1, %dma_wait3A_43, %dma_wait3A_44] : memref<2x16x250x80xi32, #tpu.memory_space<hbm>> -> memref<1x1x250x80xi32, #tpu.memory_space<hbm>>
      %dma_wait3A_46 = tpu.memref_squeeze %dma_wait3A_45 : memref<1x1x250x80xi32, #tpu.memory_space<hbm>> -> memref<250x80xi32, #tpu.memory_space<hbm>>
      %dma_wait3A_47 = arith.constant 0 : i32
      %dma_wait3A_48 = arith.constant 0 : i32
      %dma_wait3A_49 = tpu.memref_slice %arg3[%arg0, %arg1, %dma_wait3A_47, %dma_wait3A_48] : memref<2x16x250x80xi32, #tpu.memory_space<hbm>> -> memref<1x1x250x80xi32, #tpu.memory_space<hbm>>
      %dma_wait3A_50 = tpu.memref_squeeze %dma_wait3A_49 : memref<1x1x250x80xi32, #tpu.memory_space<hbm>> -> memref<250x80xi32, #tpu.memory_space<hbm>>
      tpu.wait_dma2 semaphore(%run_scoped3A : memref<!tpu.dma_semaphore, #tpu.memory_space<semaphore_mem>>) src(%dma_wait3A_50 : memref<250x80xi32, #tpu.memory_space<hbm>>) dst(%arg9 : memref<250x80xi32, #tpu.memory_space<vmem>>)
      tpu.yield
    }) : () -> ()
    "tpu.region"() ({
      %run_scoped3A = tpu.sem_alloc : memref<!tpu.dma_semaphore, #tpu.memory_space<semaphore_mem>>
      %dma_start3A_35 = arith.constant 0 : i32
      %dma_start3A_36 = arith.constant 0 : i32
      %dma_start3A_37 = tpu.memref_slice %arg4[%arg1, %dma_start3A_35, %dma_start3A_36] : memref<16x252x80xi32, #tpu.memory_space<hbm>> -> memref<1x252x80xi32, #tpu.memory_space<hbm>>
      %dma_start3A_38 = tpu.memref_squeeze %dma_start3A_37 : memref<1x252x80xi32, #tpu.memory_space<hbm>> -> memref<252x80xi32, #tpu.memory_space<hbm>>
      %dma_start3A_39 = arith.constant 0 : i32
      %dma_start3A_40 = arith.constant 0 : i32
      %dma_start3A_41 = tpu.memref_slice %arg4[%arg1, %dma_start3A_39, %dma_start3A_40] : memref<16x252x80xi32, #tpu.memory_space<hbm>> -> memref<1x252x80xi32, #tpu.memory_space<hbm>>
      %dma_start3A_42 = tpu.memref_squeeze %dma_start3A_41 : memref<1x252x80xi32, #tpu.memory_space<hbm>> -> memref<252x80xi32, #tpu.memory_space<hbm>>
      tpu.enqueue_dma source(%dma_start3A_42 : memref<252x80xi32, #tpu.memory_space<hbm>>) target(%arg10 : memref<252x80xi32, #tpu.memory_space<vmem>>) target_semaphore(%run_scoped3A : memref<!tpu.dma_semaphore, #tpu.memory_space<semaphore_mem>>)
      %dma_wait3A_43 = arith.constant 0 : i32
      %dma_wait3A_44 = arith.constant 0 : i32
      %dma_wait3A_45 = tpu.memref_slice %arg4[%arg1, %dma_wait3A_43, %dma_wait3A_44] : memref<16x252x80xi32, #tpu.memory_space<hbm>> -> memref<1x252x80xi32, #tpu.memory_space<hbm>>
      %dma_wait3A_46 = tpu.memref_squeeze %dma_wait3A_45 : memref<1x252x80xi32, #tpu.memory_space<hbm>> -> memref<252x80xi32, #tpu.memory_space<hbm>>
      %dma_wait3A_47 = arith.constant 0 : i32
      %dma_wait3A_48 = arith.constant 0 : i32
      %dma_wait3A_49 = tpu.memref_slice %arg4[%arg1, %dma_wait3A_47, %dma_wait3A_48] : memref<16x252x80xi32, #tpu.memory_space<hbm>> -> memref<1x252x80xi32, #tpu.memory_space<hbm>>
      %dma_wait3A_50 = tpu.memref_squeeze %dma_wait3A_49 : memref<1x252x80xi32, #tpu.memory_space<hbm>> -> memref<252x80xi32, #tpu.memory_space<hbm>>
      tpu.wait_dma2 semaphore(%run_scoped3A : memref<!tpu.dma_semaphore, #tpu.memory_space<semaphore_mem>>) src(%dma_wait3A_50 : memref<252x80xi32, #tpu.memory_space<hbm>>) dst(%arg10 : memref<252x80xi32, #tpu.memory_space<vmem>>)
      tpu.yield
    }) : () -> ()
    %mul3A = arith.constant 320 : i32
    %mul3A_0 = arith.muli %arg1, %mul3A : i32
    %mul3A_1 = arith.constant 5120 : i32
    %mul3A_2 = arith.muli %arg0, %mul3A_1 : i32
    %mul3A_3 = arith.constant 320 : i32
    %mul3A_4 = arith.muli %arg1, %mul3A_3 : i32
    %add3A = arith.addi %mul3A_2, %mul3A_4 : i32
    "tpu.region"() ({
      %run_scoped3A = tpu.sem_alloc : memref<!tpu.dma_semaphore, #tpu.memory_space<semaphore_mem>>
      %dma_start3A_35 = arith.constant 0 : i32
      %dma_start3A_36 = tpu.memref_slice %arg7[%mul3A_0, %dma_start3A_35] : memref<5128x128xf32, #tpu.memory_space<vmem_shared>> -> memref<320x128xf32, #tpu.memory_space<vmem_shared>>
      tpu.enqueue_dma source(%arg5 : memref<320x128xf32, #tpu.memory_space<hbm>>) target(%dma_start3A_36 : memref<320x128xf32, #tpu.memory_space<vmem_shared>>) target_semaphore(%run_scoped3A : memref<!tpu.dma_semaphore, #tpu.memory_space<semaphore_mem>>)
      %dma_wait3A_37 = arith.constant 0 : i32
      %dma_wait3A_38 = tpu.memref_slice %arg7[%mul3A_0, %dma_wait3A_37] : memref<5128x128xf32, #tpu.memory_space<vmem_shared>> -> memref<320x128xf32, #tpu.memory_space<vmem_shared>>
      tpu.wait_dma2 semaphore(%run_scoped3A : memref<!tpu.dma_semaphore, #tpu.memory_space<semaphore_mem>>) src(%arg5 : memref<320x128xf32, #tpu.memory_space<hbm>>) dst(%dma_wait3A_38 : memref<320x128xf32, #tpu.memory_space<vmem_shared>>)
      tpu.yield
    }) : () -> ()
    %barrier3A = arith.constant 0 : index
    tpu.barrier barrier_id(%barrier3A)
    %dma_start3A = arith.constant 0 : i32
    %dma_start3A_5 = arith.constant 0 : i32
    %dma_start3A_6 = arith.constant 0 : i32
    %dma_start3A_7 = arith.constant 0 : i32
    %dma_start3A_8 = tpu.memref_slice %arg8[%dma_start3A_5, %dma_start3A_6, %dma_start3A_7] : memref<2x80x128xf32, #tpu.memory_space<vmem>> -> memref<1x80x128xf32, #tpu.memory_space<vmem>>
    %dma_start3A_9 = tpu.memref_squeeze %dma_start3A_8 : memref<1x80x128xf32, #tpu.memory_space<vmem>> -> memref<80x128xf32, #tpu.memory_space<vmem>>
    %dma_start3A_10 = arith.constant 0 : i32
    %dma_start3A_11 = tpu.memref_slice %arg10[%dma_start3A, %dma_start3A_10] : memref<252x80xi32, #tpu.memory_space<vmem>> -> memref<1x80xi32, #tpu.memory_space<vmem>>
    %dma_start3A_12 = tpu.memref_squeeze %dma_start3A_11 : memref<1x80xi32, #tpu.memory_space<vmem>> -> memref<80xi32, #tpu.memory_space<vmem>>
    %dma_start3A_13 = arith.constant 0 : i32
    %dma_start3A_14 = arith.constant 0 : i32
    %dma_start3A_15 = tpu.memref_slice %arg2[%dma_start3A_13, %dma_start3A_14] : memref<10240x128xf32, #tpu.memory_space<hbm>> -> memref<10240x128xf32, #tpu.memory_space<hbm>>
    tpu.enqueue_indirect_dma source(%dma_start3A_15 : memref<10240x128xf32, #tpu.memory_space<hbm>>) target(%dma_start3A_9 : memref<80x128xf32, #tpu.memory_space<vmem>>) offsets(%dma_start3A_12 : memref<80xi32, #tpu.memory_space<vmem>>) semaphore(%arg11 : memref<!tpu.dma_semaphore, #tpu.memory_space<semaphore_mem>>)
    %scan3A = arith.constant 0 : i32
    %scan3A_16 = arith.constant 125 : i32
    %scan3A_17 = arith.addi %scan3A, %scan3A_16 : i32
    %scan3A_18 = arith.constant 1 : i32
    scf.for %scan3A_35 = %scan3A to %scan3A_17 step %scan3A_18  : i32 {
      %mul3A_36 = arith.constant 2 : i32
      %mul3A_37 = arith.muli %mul3A_36, %scan3A_35 : i32
      %add3A_38 = arith.constant 0 : i32
      %add3A_39 = arith.addi %mul3A_37, %add3A_38 : i32
      %add3A_40 = arith.constant 1 : i32
      %add3A_41 = arith.addi %add3A_39, %add3A_40 : i32
      %dma_start3A_42 = arith.constant 1 : i32
      %dma_start3A_43 = arith.constant 0 : i32
      %dma_start3A_44 = arith.constant 0 : i32
      %dma_start3A_45 = tpu.memref_slice %arg8[%dma_start3A_42, %dma_start3A_43, %dma_start3A_44] : memref<2x80x128xf32, #tpu.memory_space<vmem>> -> memref<1x80x128xf32, #tpu.memory_space<vmem>>
      %dma_start3A_46 = tpu.memref_squeeze %dma_start3A_45 : memref<1x80x128xf32, #tpu.memory_space<vmem>> -> memref<80x128xf32, #tpu.memory_space<vmem>>
      %dma_start3A_47 = arith.constant 0 : i32
      %dma_start3A_48 = tpu.memref_slice %arg10[%add3A_41, %dma_start3A_47] : memref<252x80xi32, #tpu.memory_space<vmem>> -> memref<1x80xi32, #tpu.memory_space<vmem>>
      %dma_start3A_49 = tpu.memref_squeeze %dma_start3A_48 : memref<1x80xi32, #tpu.memory_space<vmem>> -> memref<80xi32, #tpu.memory_space<vmem>>
      %dma_start3A_50 = arith.constant 0 : i32
      %dma_start3A_51 = arith.constant 0 : i32
      %dma_start3A_52 = tpu.memref_slice %arg2[%dma_start3A_50, %dma_start3A_51] : memref<10240x128xf32, #tpu.memory_space<hbm>> -> memref<10240x128xf32, #tpu.memory_space<hbm>>
      tpu.enqueue_indirect_dma source(%dma_start3A_52 : memref<10240x128xf32, #tpu.memory_space<hbm>>) target(%dma_start3A_46 : memref<80x128xf32, #tpu.memory_space<vmem>>) offsets(%dma_start3A_49 : memref<80xi32, #tpu.memory_space<vmem>>) semaphore(%arg12 : memref<!tpu.dma_semaphore, #tpu.memory_space<semaphore_mem>>)
      %dma_wait3A_53 = arith.constant 0 : i32
      %dma_wait3A_54 = arith.constant 0 : i32
      %dma_wait3A_55 = arith.constant 0 : i32
      %dma_wait3A_56 = tpu.memref_slice %arg8[%dma_wait3A_53, %dma_wait3A_54, %dma_wait3A_55] : memref<2x80x128xf32, #tpu.memory_space<vmem>> -> memref<1x80x128xf32, #tpu.memory_space<vmem>>
      %dma_wait3A_57 = tpu.memref_squeeze %dma_wait3A_56 : memref<1x80x128xf32, #tpu.memory_space<vmem>> -> memref<80x128xf32, #tpu.memory_space<vmem>>
      %dma_wait3A_58 = arith.constant 0 : i32
      %dma_wait3A_59 = arith.constant 0 : i32
      %dma_wait3A_60 = tpu.memref_slice %arg5[%dma_wait3A_58, %dma_wait3A_59] : memref<320x128xf32, #tpu.memory_space<hbm>> -> memref<80x128xf32, #tpu.memory_space<hbm>>
      %dma_wait3A_61 = arith.constant 0 : i32
      %dma_wait3A_62 = arith.constant 0 : i32
      %dma_wait3A_63 = tpu.memref_slice %arg8[%dma_wait3A_53, %dma_wait3A_61, %dma_wait3A_62] : memref<2x80x128xf32, #tpu.memory_space<vmem>> -> memref<1x80x128xf32, #tpu.memory_space<vmem>>
      %dma_wait3A_64 = tpu.memref_squeeze %dma_wait3A_63 : memref<1x80x128xf32, #tpu.memory_space<vmem>> -> memref<80x128xf32, #tpu.memory_space<vmem>>
      %dma_wait3A_65 = arith.constant 0 : i32
      %dma_wait3A_66 = arith.constant 0 : i32
      %dma_wait3A_67 = tpu.memref_slice %arg5[%dma_wait3A_65, %dma_wait3A_66] : memref<320x128xf32, #tpu.memory_space<hbm>> -> memref<80x128xf32, #tpu.memory_space<hbm>>
      tpu.wait_dma2 semaphore(%arg11 : memref<!tpu.dma_semaphore, #tpu.memory_space<semaphore_mem>>) src(%dma_wait3A_67 : memref<80x128xf32, #tpu.memory_space<hbm>>) dst(%dma_wait3A_64 : memref<80x128xf32, #tpu.memory_space<vmem>>)
      %run_scoped3A = arith.constant 0 : i32
      "tpu.region"() ({
        %run_scoped3A_101 = tpu.sem_alloc : memref<!tpu.dma_semaphore, #tpu.memory_space<semaphore_mem>>
        %dma_start3A_102 = arith.constant 0 : i32
        %dma_start3A_103 = arith.constant 0 : i32
        %dma_start3A_104 = tpu.memref_slice %arg8[%run_scoped3A, %dma_start3A_102, %dma_start3A_103] : memref<2x80x128xf32, #tpu.memory_space<vmem>> -> memref<1x80x128xf32, #tpu.memory_space<vmem>>
        %dma_start3A_105 = tpu.memref_squeeze %dma_start3A_104 : memref<1x80x128xf32, #tpu.memory_space<vmem>> -> memref<80x128xf32, #tpu.memory_space<vmem>>
        %dma_start3A_106 = arith.constant 0 : i32
        %dma_start3A_107 = tpu.memref_slice %arg9[%add3A_39, %dma_start3A_106] : memref<250x80xi32, #tpu.memory_space<vmem>> -> memref<1x80xi32, #tpu.memory_space<vmem>>
        %dma_start3A_108 = tpu.memref_squeeze %dma_start3A_107 : memref<1x80xi32, #tpu.memory_space<vmem>> -> memref<80xi32, #tpu.memory_space<vmem>>
        %dma_start3A_109 = arith.constant 0 : i32
        %dma_start3A_110 = arith.constant 0 : i32
        %dma_start3A_111 = tpu.memref_slice %arg7[%dma_start3A_109, %dma_start3A_110] : memref<5128x128xf32, #tpu.memory_space<vmem_shared>> -> memref<5128x128xf32, #tpu.memory_space<vmem_shared>>
        tpu.enqueue_indirect_dma source(%dma_start3A_105 : memref<80x128xf32, #tpu.memory_space<vmem>>) target(%dma_start3A_111 : memref<5128x128xf32, #tpu.memory_space<vmem_shared>>) offsets(%dma_start3A_108 : memref<80xi32, #tpu.memory_space<vmem>>) semaphore(%run_scoped3A_101 : memref<!tpu.dma_semaphore, #tpu.memory_space<semaphore_mem>>) {add = true}
        %dma_wait3A_112 = arith.constant 0 : i32
        %dma_wait3A_113 = arith.constant 0 : i32
        %dma_wait3A_114 = tpu.memref_slice %arg8[%run_scoped3A, %dma_wait3A_112, %dma_wait3A_113] : memref<2x80x128xf32, #tpu.memory_space<vmem>> -> memref<1x80x128xf32, #tpu.memory_space<vmem>>
        %dma_wait3A_115 = tpu.memref_squeeze %dma_wait3A_114 : memref<1x80x128xf32, #tpu.memory_space<vmem>> -> memref<80x128xf32, #tpu.memory_space<vmem>>
        %dma_wait3A_116 = arith.constant 0 : i32
        %dma_wait3A_117 = tpu.memref_slice %arg9[%add3A_39, %dma_wait3A_116] : memref<250x80xi32, #tpu.memory_space<vmem>> -> memref<1x80xi32, #tpu.memory_space<vmem>>
        %dma_wait3A_118 = tpu.memref_squeeze %dma_wait3A_117 : memref<1x80xi32, #tpu.memory_space<vmem>> -> memref<80xi32, #tpu.memory_space<vmem>>
        %dma_wait3A_119 = arith.constant 0 : i32
        %dma_wait3A_120 = arith.constant 0 : i32
        %dma_wait3A_121 = tpu.memref_slice %arg7[%dma_wait3A_119, %dma_wait3A_120] : memref<5128x128xf32, #tpu.memory_space<vmem_shared>> -> memref<5128x128xf32, #tpu.memory_space<vmem_shared>>
        tpu.wait_indirect_dma semaphore(%run_scoped3A_101 : memref<!tpu.dma_semaphore, #tpu.memory_space<semaphore_mem>>) src(%dma_wait3A_115 : memref<80x128xf32, #tpu.memory_space<vmem>>) dst(%dma_wait3A_121 : memref<5128x128xf32, #tpu.memory_space<vmem_shared>>)
        tpu.yield
      }) : () -> ()
      %mul3A_68 = arith.constant 2 : i32
      %mul3A_69 = arith.muli %mul3A_68, %scan3A_35 : i32
      %add3A_70 = arith.constant 1 : i32
      %add3A_71 = arith.addi %mul3A_69, %add3A_70 : i32
      %add3A_72 = arith.constant 1 : i32
      %add3A_73 = arith.addi %add3A_71, %add3A_72 : i32
      %dma_start3A_74 = arith.constant 0 : i32
      %dma_start3A_75 = arith.constant 0 : i32
      %dma_start3A_76 = arith.constant 0 : i32
      %dma_start3A_77 = tpu.memref_slice %arg8[%dma_start3A_74, %dma_start3A_75, %dma_start3A_76] : memref<2x80x128xf32, #tpu.memory_space<vmem>> -> memref<1x80x128xf32, #tpu.memory_space<vmem>>
      %dma_start3A_78 = tpu.memref_squeeze %dma_start3A_77 : memref<1x80x128xf32, #tpu.memory_space<vmem>> -> memref<80x128xf32, #tpu.memory_space<vmem>>
      %dma_start3A_79 = arith.constant 0 : i32
      %dma_start3A_80 = tpu.memref_slice %arg10[%add3A_73, %dma_start3A_79] : memref<252x80xi32, #tpu.memory_space<vmem>> -> memref<1x80xi32, #tpu.memory_space<vmem>>
      %dma_start3A_81 = tpu.memref_squeeze %dma_start3A_80 : memref<1x80xi32, #tpu.memory_space<vmem>> -> memref<80xi32, #tpu.memory_space<vmem>>
      %dma_start3A_82 = arith.constant 0 : i32
      %dma_start3A_83 = arith.constant 0 : i32
      %dma_start3A_84 = tpu.memref_slice %arg2[%dma_start3A_82, %dma_start3A_83] : memref<10240x128xf32, #tpu.memory_space<hbm>> -> memref<10240x128xf32, #tpu.memory_space<hbm>>
      tpu.enqueue_indirect_dma source(%dma_start3A_84 : memref<10240x128xf32, #tpu.memory_space<hbm>>) target(%dma_start3A_78 : memref<80x128xf32, #tpu.memory_space<vmem>>) offsets(%dma_start3A_81 : memref<80xi32, #tpu.memory_space<vmem>>) semaphore(%arg11 : memref<!tpu.dma_semaphore, #tpu.memory_space<semaphore_mem>>)
      %dma_wait3A_85 = arith.constant 1 : i32
      %dma_wait3A_86 = arith.constant 0 : i32
      %dma_wait3A_87 = arith.constant 0 : i32
      %dma_wait3A_88 = tpu.memref_slice %arg8[%dma_wait3A_85, %dma_wait3A_86, %dma_wait3A_87] : memref<2x80x128xf32, #tpu.memory_space<vmem>> -> memref<1x80x128xf32, #tpu.memory_space<vmem>>
      %dma_wait3A_89 = tpu.memref_squeeze %dma_wait3A_88 : memref<1x80x128xf32, #tpu.memory_space<vmem>> -> memref<80x128xf32, #tpu.memory_space<vmem>>
      %dma_wait3A_90 = arith.constant 0 : i32
      %dma_wait3A_91 = arith.constant 0 : i32
      %dma_wait3A_92 = tpu.memref_slice %arg5[%dma_wait3A_90, %dma_wait3A_91] : memref<320x128xf32, #tpu.memory_space<hbm>> -> memref<80x128xf32, #tpu.memory_space<hbm>>
      %dma_wait3A_93 = arith.constant 0 : i32
      %dma_wait3A_94 = arith.constant 0 : i32
      %dma_wait3A_95 = tpu.memref_slice %arg8[%dma_wait3A_85, %dma_wait3A_93, %dma_wait3A_94] : memref<2x80x128xf32, #tpu.memory_space<vmem>> -> memref<1x80x128xf32, #tpu.memory_space<vmem>>
      %dma_wait3A_96 = tpu.memref_squeeze %dma_wait3A_95 : memref<1x80x128xf32, #tpu.memory_space<vmem>> -> memref<80x128xf32, #tpu.memory_space<vmem>>
      %dma_wait3A_97 = arith.constant 0 : i32
      %dma_wait3A_98 = arith.constant 0 : i32
      %dma_wait3A_99 = tpu.memref_slice %arg5[%dma_wait3A_97, %dma_wait3A_98] : memref<320x128xf32, #tpu.memory_space<hbm>> -> memref<80x128xf32, #tpu.memory_space<hbm>>
      tpu.wait_dma2 semaphore(%arg12 : memref<!tpu.dma_semaphore, #tpu.memory_space<semaphore_mem>>) src(%dma_wait3A_99 : memref<80x128xf32, #tpu.memory_space<hbm>>) dst(%dma_wait3A_96 : memref<80x128xf32, #tpu.memory_space<vmem>>)
      %run_scoped3A_100 = arith.constant 1 : i32
      "tpu.region"() ({
        %run_scoped3A_101 = tpu.sem_alloc : memref<!tpu.dma_semaphore, #tpu.memory_space<semaphore_mem>>
        %dma_start3A_102 = arith.constant 0 : i32
        %dma_start3A_103 = arith.constant 0 : i32
        %dma_start3A_104 = tpu.memref_slice %arg8[%run_scoped3A_100, %dma_start3A_102, %dma_start3A_103] : memref<2x80x128xf32, #tpu.memory_space<vmem>> -> memref<1x80x128xf32, #tpu.memory_space<vmem>>
        %dma_start3A_105 = tpu.memref_squeeze %dma_start3A_104 : memref<1x80x128xf32, #tpu.memory_space<vmem>> -> memref<80x128xf32, #tpu.memory_space<vmem>>
        %dma_start3A_106 = arith.constant 0 : i32
        %dma_start3A_107 = tpu.memref_slice %arg9[%add3A_71, %dma_start3A_106] : memref<250x80xi32, #tpu.memory_space<vmem>> -> memref<1x80xi32, #tpu.memory_space<vmem>>
        %dma_start3A_108 = tpu.memref_squeeze %dma_start3A_107 : memref<1x80xi32, #tpu.memory_space<vmem>> -> memref<80xi32, #tpu.memory_space<vmem>>
        %dma_start3A_109 = arith.constant 0 : i32
        %dma_start3A_110 = arith.constant 0 : i32
        %dma_start3A_111 = tpu.memref_slice %arg7[%dma_start3A_109, %dma_start3A_110] : memref<5128x128xf32, #tpu.memory_space<vmem_shared>> -> memref<5128x128xf32, #tpu.memory_space<vmem_shared>>
        tpu.enqueue_indirect_dma source(%dma_start3A_105 : memref<80x128xf32, #tpu.memory_space<vmem>>) target(%dma_start3A_111 : memref<5128x128xf32, #tpu.memory_space<vmem_shared>>) offsets(%dma_start3A_108 : memref<80xi32, #tpu.memory_space<vmem>>) semaphore(%run_scoped3A_101 : memref<!tpu.dma_semaphore, #tpu.memory_space<semaphore_mem>>) {add = true}
        %dma_wait3A_112 = arith.constant 0 : i32
        %dma_wait3A_113 = arith.constant 0 : i32
        %dma_wait3A_114 = tpu.memref_slice %arg8[%run_scoped3A_100, %dma_wait3A_112, %dma_wait3A_113] : memref<2x80x128xf32, #tpu.memory_space<vmem>> -> memref<1x80x128xf32, #tpu.memory_space<vmem>>
        %dma_wait3A_115 = tpu.memref_squeeze %dma_wait3A_114 : memref<1x80x128xf32, #tpu.memory_space<vmem>> -> memref<80x128xf32, #tpu.memory_space<vmem>>
        %dma_wait3A_116 = arith.constant 0 : i32
        %dma_wait3A_117 = tpu.memref_slice %arg9[%add3A_71, %dma_wait3A_116] : memref<250x80xi32, #tpu.memory_space<vmem>> -> memref<1x80xi32, #tpu.memory_space<vmem>>
        %dma_wait3A_118 = tpu.memref_squeeze %dma_wait3A_117 : memref<1x80xi32, #tpu.memory_space<vmem>> -> memref<80xi32, #tpu.memory_space<vmem>>
        %dma_wait3A_119 = arith.constant 0 : i32
        %dma_wait3A_120 = arith.constant 0 : i32
        %dma_wait3A_121 = tpu.memref_slice %arg7[%dma_wait3A_119, %dma_wait3A_120] : memref<5128x128xf32, #tpu.memory_space<vmem_shared>> -> memref<5128x128xf32, #tpu.memory_space<vmem_shared>>
        tpu.wait_indirect_dma semaphore(%run_scoped3A_101 : memref<!tpu.dma_semaphore, #tpu.memory_space<semaphore_mem>>) src(%dma_wait3A_115 : memref<80x128xf32, #tpu.memory_space<vmem>>) dst(%dma_wait3A_121 : memref<5128x128xf32, #tpu.memory_space<vmem_shared>>)
        tpu.yield
      }) : () -> ()
    }
    %scan3A_19 = arith.constant 125 : i32
    %dma_wait3A = arith.constant 0 : i32
    %dma_wait3A_20 = arith.constant 0 : i32
    %dma_wait3A_21 = arith.constant 0 : i32
    %dma_wait3A_22 = tpu.memref_slice %arg8[%dma_wait3A, %dma_wait3A_20, %dma_wait3A_21] : memref<2x80x128xf32, #tpu.memory_space<vmem>> -> memref<1x80x128xf32, #tpu.memory_space<vmem>>
    %dma_wait3A_23 = tpu.memref_squeeze %dma_wait3A_22 : memref<1x80x128xf32, #tpu.memory_space<vmem>> -> memref<80x128xf32, #tpu.memory_space<vmem>>
    %dma_wait3A_24 = arith.constant 0 : i32
    %dma_wait3A_25 = arith.constant 0 : i32
    %dma_wait3A_26 = tpu.memref_slice %arg5[%dma_wait3A_24, %dma_wait3A_25] : memref<320x128xf32, #tpu.memory_space<hbm>> -> memref<80x128xf32, #tpu.memory_space<hbm>>
    %dma_wait3A_27 = arith.constant 0 : i32
    %dma_wait3A_28 = arith.constant 0 : i32
    %dma_wait3A_29 = tpu.memref_slice %arg8[%dma_wait3A, %dma_wait3A_27, %dma_wait3A_28] : memref<2x80x128xf32, #tpu.memory_space<vmem>> -> memref<1x80x128xf32, #tpu.memory_space<vmem>>
    %dma_wait3A_30 = tpu.memref_squeeze %dma_wait3A_29 : memref<1x80x128xf32, #tpu.memory_space<vmem>> -> memref<80x128xf32, #tpu.memory_space<vmem>>
    %dma_wait3A_31 = arith.constant 0 : i32
    %dma_wait3A_32 = arith.constant 0 : i32
    %dma_wait3A_33 = tpu.memref_slice %arg5[%dma_wait3A_31, %dma_wait3A_32] : memref<320x128xf32, #tpu.memory_space<hbm>> -> memref<80x128xf32, #tpu.memory_space<hbm>>
    tpu.wait_dma2 semaphore(%arg11 : memref<!tpu.dma_semaphore, #tpu.memory_space<semaphore_mem>>) src(%dma_wait3A_33 : memref<80x128xf32, #tpu.memory_space<hbm>>) dst(%dma_wait3A_30 : memref<80x128xf32, #tpu.memory_space<vmem>>)
    %barrier3A_34 = arith.constant 0 : index
    tpu.barrier barrier_id(%barrier3A_34)
    "tpu.region"() ({
      %run_scoped3A = tpu.sem_alloc : memref<!tpu.dma_semaphore, #tpu.memory_space<semaphore_mem>>
      %dma_start3A_35 = arith.constant 0 : i32
      %dma_start3A_36 = tpu.memref_slice %arg6[%add3A, %dma_start3A_35] : memref<10240x128xf32, #tpu.memory_space<hbm>> -> memref<320x128xf32, #tpu.memory_space<hbm>>
      %dma_start3A_37 = arith.constant 0 : i32
      %dma_start3A_38 = tpu.memref_slice %arg7[%mul3A_0, %dma_start3A_37] : memref<5128x128xf32, #tpu.memory_space<vmem_shared>> -> memref<320x128xf32, #tpu.memory_space<vmem_shared>>
      tpu.enqueue_dma source(%dma_start3A_38 : memref<320x128xf32, #tpu.memory_space<vmem_shared>>) target(%dma_start3A_36 : memref<320x128xf32, #tpu.memory_space<hbm>>) target_semaphore(%run_scoped3A : memref<!tpu.dma_semaphore, #tpu.memory_space<semaphore_mem>>)
      %dma_wait3A_39 = arith.constant 0 : i32
      %dma_wait3A_40 = tpu.memref_slice %arg6[%add3A, %dma_wait3A_39] : memref<10240x128xf32, #tpu.memory_space<hbm>> -> memref<320x128xf32, #tpu.memory_space<hbm>>
      %dma_wait3A_41 = arith.constant 0 : i32
      %dma_wait3A_42 = tpu.memref_slice %arg7[%mul3A_0, %dma_wait3A_41] : memref<5128x128xf32, #tpu.memory_space<vmem_shared>> -> memref<320x128xf32, #tpu.memory_space<vmem_shared>>
      tpu.wait_dma2 semaphore(%run_scoped3A : memref<!tpu.dma_semaphore, #tpu.memory_space<semaphore_mem>>) src(%dma_wait3A_42 : memref<320x128xf32, #tpu.memory_space<vmem_shared>>) dst(%dma_wait3A_40 : memref<320x128xf32, #tpu.memory_space<hbm>>)
      tpu.yield
    }) : () -> ()
    return
  }
}

#map = affine_map<(d0, d1) -> (0, 0)>
#map1 = affine_map<(d0, d1) -> (0, 0, 0, 0)>
#map2 = affine_map<(d0, d1) -> (0, 0, 0)>
module attributes {stable_mosaic.version = 14 : i64} {
  func.func @_hop_kernel(%arg0: i32, %arg1: i32, %arg2: memref<10240x128xf32, #tpu.memory_space<hbm>>, %arg3: memref<2x16x250x80xi32, #tpu.memory_space<hbm>>, %arg4: memref<16x252x80xi32, #tpu.memory_space<hbm>>, %arg5: memref<320x128xf32, #tpu.memory_space<hbm>>, %arg6: memref<10240x128xf32, #tpu.memory_space<hbm>>, %arg7: memref<5128x128xf32, #tpu.memory_space<vmem_shared>>, %arg8: memref<2x80x128xf32, #tpu.memory_space<vmem>>, %arg9: memref<250x80xi32, #tpu.memory_space<vmem>>, %arg10: memref<252x80xi32, #tpu.memory_space<vmem>>, %arg11: memref<!tpu.dma_semaphore, #tpu.memory_space<semaphore_mem>>, %arg12: memref<!tpu.dma_semaphore, #tpu.memory_space<semaphore_mem>>) attributes {dimension_semantics = [#tpu.dimension_semantics<core_parallel>, #tpu.dimension_semantics<subcore_parallel>], iteration_bounds = array<i64: 2, 16>, scalar_prefetch = 0 : i64, scratch_operands = 6 : i64, tpu.core_type = #tpu.core_type<sc_vector_subcore>, window_params = [{transform_indices = #map}, {transform_indices = #map1}, {transform_indices = #map2}, {transform_indices = #map}, {transform_indices = #map}]} {
    "tpu.region"() ({
      %run_scoped3A = tpu.sem_alloc : memref<!tpu.dma_semaphore, #tpu.memory_space<semaphore_mem>>
      %dma_start3A_35 = arith.constant 0 : i32
      %dma_start3A_36 = arith.constant 0 : i32
      %dma_start3A_37 = tpu.memref_slice %arg3[%arg0, %arg1, %dma_start3A_35, %dma_start3A_36] : memref<2x16x250x80xi32, #tpu.memory_space<hbm>> -> memref<1x1x250x80xi32, #tpu.memory_space<hbm>>
      %dma_start3A_38 = tpu.memref_squeeze %dma_start3A_37 : memref<1x1x250x80xi32, #tpu.memory_space<hbm>> -> memref<250x80xi32, #tpu.memory_space<hbm>>
      %dma_start3A_39 = arith.constant 0 : i32
      %dma_start3A_40 = arith.constant 0 : i32
      %dma_start3A_41 = tpu.memref_slice %arg3[%arg0, %arg1, %dma_start3A_39, %dma_start3A_40] : memref<2x16x250x80xi32, #tpu.memory_space<hbm>> -> memref<1x1x250x80xi32, #tpu.memory_space<hbm>>
      %dma_start3A_42 = tpu.memref_squeeze %dma_start3A_41 : memref<1x1x250x80xi32, #tpu.memory_space<hbm>> -> memref<250x80xi32, #tpu.memory_space<hbm>>
      tpu.enqueue_dma source(%dma_start3A_42 : memref<250x80xi32, #tpu.memory_space<hbm>>) target(%arg9 : memref<250x80xi32, #tpu.memory_space<vmem>>) target_semaphore(%run_scoped3A : memref<!tpu.dma_semaphore, #tpu.memory_space<semaphore_mem>>)
      %dma_wait3A_43 = arith.constant 0 : i32
      %dma_wait3A_44 = arith.constant 0 : i32
      %dma_wait3A_45 = tpu.memref_slice %arg3[%arg0, %arg1, %dma_wait3A_43, %dma_wait3A_44] : memref<2x16x250x80xi32, #tpu.memory_space<hbm>> -> memref<1x1x250x80xi32, #tpu.memory_space<hbm>>
      %dma_wait3A_46 = tpu.memref_squeeze %dma_wait3A_45 : memref<1x1x250x80xi32, #tpu.memory_space<hbm>> -> memref<250x80xi32, #tpu.memory_space<hbm>>
      %dma_wait3A_47 = arith.constant 0 : i32
      %dma_wait3A_48 = arith.constant 0 : i32
      %dma_wait3A_49 = tpu.memref_slice %arg3[%arg0, %arg1, %dma_wait3A_47, %dma_wait3A_48] : memref<2x16x250x80xi32, #tpu.memory_space<hbm>> -> memref<1x1x250x80xi32, #tpu.memory_space<hbm>>
      %dma_wait3A_50 = tpu.memref_squeeze %dma_wait3A_49 : memref<1x1x250x80xi32, #tpu.memory_space<hbm>> -> memref<250x80xi32, #tpu.memory_space<hbm>>
      tpu.wait_dma2 semaphore(%run_scoped3A : memref<!tpu.dma_semaphore, #tpu.memory_space<semaphore_mem>>) src(%dma_wait3A_50 : memref<250x80xi32, #tpu.memory_space<hbm>>) dst(%arg9 : memref<250x80xi32, #tpu.memory_space<vmem>>)
      tpu.yield
    }) : () -> ()
    "tpu.region"() ({
      %run_scoped3A = tpu.sem_alloc : memref<!tpu.dma_semaphore, #tpu.memory_space<semaphore_mem>>
      %dma_start3A_35 = arith.constant 0 : i32
      %dma_start3A_36 = arith.constant 0 : i32
      %dma_start3A_37 = tpu.memref_slice %arg4[%arg1, %dma_start3A_35, %dma_start3A_36] : memref<16x252x80xi32, #tpu.memory_space<hbm>> -> memref<1x252x80xi32, #tpu.memory_space<hbm>>
      %dma_start3A_38 = tpu.memref_squeeze %dma_start3A_37 : memref<1x252x80xi32, #tpu.memory_space<hbm>> -> memref<252x80xi32, #tpu.memory_space<hbm>>
      %dma_start3A_39 = arith.constant 0 : i32
      %dma_start3A_40 = arith.constant 0 : i32
      %dma_start3A_41 = tpu.memref_slice %arg4[%arg1, %dma_start3A_39, %dma_start3A_40] : memref<16x252x80xi32, #tpu.memory_space<hbm>> -> memref<1x252x80xi32, #tpu.memory_space<hbm>>
      %dma_start3A_42 = tpu.memref_squeeze %dma_start3A_41 : memref<1x252x80xi32, #tpu.memory_space<hbm>> -> memref<252x80xi32, #tpu.memory_space<hbm>>
      tpu.enqueue_dma source(%dma_start3A_42 : memref<252x80xi32, #tpu.memory_space<hbm>>) target(%arg10 : memref<252x80xi32, #tpu.memory_space<vmem>>) target_semaphore(%run_scoped3A : memref<!tpu.dma_semaphore, #tpu.memory_space<semaphore_mem>>)
      %dma_wait3A_43 = arith.constant 0 : i32
      %dma_wait3A_44 = arith.constant 0 : i32
      %dma_wait3A_45 = tpu.memref_slice %arg4[%arg1, %dma_wait3A_43, %dma_wait3A_44] : memref<16x252x80xi32, #tpu.memory_space<hbm>> -> memref<1x252x80xi32, #tpu.memory_space<hbm>>
      %dma_wait3A_46 = tpu.memref_squeeze %dma_wait3A_45 : memref<1x252x80xi32, #tpu.memory_space<hbm>> -> memref<252x80xi32, #tpu.memory_space<hbm>>
      %dma_wait3A_47 = arith.constant 0 : i32
      %dma_wait3A_48 = arith.constant 0 : i32
      %dma_wait3A_49 = tpu.memref_slice %arg4[%arg1, %dma_wait3A_47, %dma_wait3A_48] : memref<16x252x80xi32, #tpu.memory_space<hbm>> -> memref<1x252x80xi32, #tpu.memory_space<hbm>>
      %dma_wait3A_50 = tpu.memref_squeeze %dma_wait3A_49 : memref<1x252x80xi32, #tpu.memory_space<hbm>> -> memref<252x80xi32, #tpu.memory_space<hbm>>
      tpu.wait_dma2 semaphore(%run_scoped3A : memref<!tpu.dma_semaphore, #tpu.memory_space<semaphore_mem>>) src(%dma_wait3A_50 : memref<252x80xi32, #tpu.memory_space<hbm>>) dst(%arg10 : memref<252x80xi32, #tpu.memory_space<vmem>>)
      tpu.yield
    }) : () -> ()
    %mul3A = arith.constant 320 : i32
    %mul3A_0 = arith.muli %arg1, %mul3A : i32
    %mul3A_1 = arith.constant 5120 : i32
    %mul3A_2 = arith.muli %arg0, %mul3A_1 : i32
    %mul3A_3 = arith.constant 320 : i32
    %mul3A_4 = arith.muli %arg1, %mul3A_3 : i32
    %add3A = arith.addi %mul3A_2, %mul3A_4 : i32
    "tpu.region"() ({
      %run_scoped3A = tpu.sem_alloc : memref<!tpu.dma_semaphore, #tpu.memory_space<semaphore_mem>>
      %dma_start3A_35 = arith.constant 0 : i32
      %dma_start3A_36 = tpu.memref_slice %arg7[%mul3A_0, %dma_start3A_35] : memref<5128x128xf32, #tpu.memory_space<vmem_shared>> -> memref<320x128xf32, #tpu.memory_space<vmem_shared>>
      tpu.enqueue_dma source(%arg5 : memref<320x128xf32, #tpu.memory_space<hbm>>) target(%dma_start3A_36 : memref<320x128xf32, #tpu.memory_space<vmem_shared>>) target_semaphore(%run_scoped3A : memref<!tpu.dma_semaphore, #tpu.memory_space<semaphore_mem>>)
      %dma_wait3A_37 = arith.constant 0 : i32
      %dma_wait3A_38 = tpu.memref_slice %arg7[%mul3A_0, %dma_wait3A_37] : memref<5128x128xf32, #tpu.memory_space<vmem_shared>> -> memref<320x128xf32, #tpu.memory_space<vmem_shared>>
      tpu.wait_dma2 semaphore(%run_scoped3A : memref<!tpu.dma_semaphore, #tpu.memory_space<semaphore_mem>>) src(%arg5 : memref<320x128xf32, #tpu.memory_space<hbm>>) dst(%dma_wait3A_38 : memref<320x128xf32, #tpu.memory_space<vmem_shared>>)
      tpu.yield
    }) : () -> ()
    %barrier3A = arith.constant 0 : index
    tpu.barrier barrier_id(%barrier3A)
    %dma_start3A = arith.constant 0 : i32
    %dma_start3A_5 = arith.constant 0 : i32
    %dma_start3A_6 = arith.constant 0 : i32
    %dma_start3A_7 = arith.constant 0 : i32
    %dma_start3A_8 = tpu.memref_slice %arg8[%dma_start3A_5, %dma_start3A_6, %dma_start3A_7] : memref<2x80x128xf32, #tpu.memory_space<vmem>> -> memref<1x80x128xf32, #tpu.memory_space<vmem>>
    %dma_start3A_9 = tpu.memref_squeeze %dma_start3A_8 : memref<1x80x128xf32, #tpu.memory_space<vmem>> -> memref<80x128xf32, #tpu.memory_space<vmem>>
    %dma_start3A_10 = arith.constant 0 : i32
    %dma_start3A_11 = tpu.memref_slice %arg10[%dma_start3A, %dma_start3A_10] : memref<252x80xi32, #tpu.memory_space<vmem>> -> memref<1x80xi32, #tpu.memory_space<vmem>>
    %dma_start3A_12 = tpu.memref_squeeze %dma_start3A_11 : memref<1x80xi32, #tpu.memory_space<vmem>> -> memref<80xi32, #tpu.memory_space<vmem>>
    %dma_start3A_13 = arith.constant 0 : i32
    %dma_start3A_14 = arith.constant 0 : i32
    %dma_start3A_15 = tpu.memref_slice %arg2[%dma_start3A_13, %dma_start3A_14] : memref<10240x128xf32, #tpu.memory_space<hbm>> -> memref<10240x128xf32, #tpu.memory_space<hbm>>
    tpu.enqueue_indirect_dma source(%dma_start3A_15 : memref<10240x128xf32, #tpu.memory_space<hbm>>) target(%dma_start3A_9 : memref<80x128xf32, #tpu.memory_space<vmem>>) offsets(%dma_start3A_12 : memref<80xi32, #tpu.memory_space<vmem>>) semaphore(%arg11 : memref<!tpu.dma_semaphore, #tpu.memory_space<semaphore_mem>>)
    %scan3A = arith.constant 0 : i32
    %scan3A_16 = arith.constant 125 : i32
    %scan3A_17 = arith.addi %scan3A, %scan3A_16 : i32
    %scan3A_18 = arith.constant 1 : i32
    scf.for %scan3A_35 = %scan3A to %scan3A_17 step %scan3A_18  : i32 {
      %mul3A_36 = arith.constant 2 : i32
      %mul3A_37 = arith.muli %mul3A_36, %scan3A_35 : i32
      %add3A_38 = arith.constant 0 : i32
      %add3A_39 = arith.addi %mul3A_37, %add3A_38 : i32
      %add3A_40 = arith.constant 1 : i32
      %add3A_41 = arith.addi %add3A_39, %add3A_40 : i32
      %dma_start3A_42 = arith.constant 1 : i32
      %dma_start3A_43 = arith.constant 0 : i32
      %dma_start3A_44 = arith.constant 0 : i32
      %dma_start3A_45 = tpu.memref_slice %arg8[%dma_start3A_42, %dma_start3A_43, %dma_start3A_44] : memref<2x80x128xf32, #tpu.memory_space<vmem>> -> memref<1x80x128xf32, #tpu.memory_space<vmem>>
      %dma_start3A_46 = tpu.memref_squeeze %dma_start3A_45 : memref<1x80x128xf32, #tpu.memory_space<vmem>> -> memref<80x128xf32, #tpu.memory_space<vmem>>
      %dma_start3A_47 = arith.constant 0 : i32
      %dma_start3A_48 = tpu.memref_slice %arg10[%add3A_41, %dma_start3A_47] : memref<252x80xi32, #tpu.memory_space<vmem>> -> memref<1x80xi32, #tpu.memory_space<vmem>>
      %dma_start3A_49 = tpu.memref_squeeze %dma_start3A_48 : memref<1x80xi32, #tpu.memory_space<vmem>> -> memref<80xi32, #tpu.memory_space<vmem>>
      %dma_start3A_50 = arith.constant 0 : i32
      %dma_start3A_51 = arith.constant 0 : i32
      %dma_start3A_52 = tpu.memref_slice %arg2[%dma_start3A_50, %dma_start3A_51] : memref<10240x128xf32, #tpu.memory_space<hbm>> -> memref<10240x128xf32, #tpu.memory_space<hbm>>
      tpu.enqueue_indirect_dma source(%dma_start3A_52 : memref<10240x128xf32, #tpu.memory_space<hbm>>) target(%dma_start3A_46 : memref<80x128xf32, #tpu.memory_space<vmem>>) offsets(%dma_start3A_49 : memref<80xi32, #tpu.memory_space<vmem>>) semaphore(%arg12 : memref<!tpu.dma_semaphore, #tpu.memory_space<semaphore_mem>>)
      %dma_wait3A_53 = arith.constant 0 : i32
      %dma_wait3A_54 = arith.constant 0 : i32
      %dma_wait3A_55 = arith.constant 0 : i32
      %dma_wait3A_56 = tpu.memref_slice %arg8[%dma_wait3A_53, %dma_wait3A_54, %dma_wait3A_55] : memref<2x80x128xf32, #tpu.memory_space<vmem>> -> memref<1x80x128xf32, #tpu.memory_space<vmem>>
      %dma_wait3A_57 = tpu.memref_squeeze %dma_wait3A_56 : memref<1x80x128xf32, #tpu.memory_space<vmem>> -> memref<80x128xf32, #tpu.memory_space<vmem>>
      %dma_wait3A_58 = arith.constant 0 : i32
      %dma_wait3A_59 = arith.constant 0 : i32
      %dma_wait3A_60 = tpu.memref_slice %arg5[%dma_wait3A_58, %dma_wait3A_59] : memref<320x128xf32, #tpu.memory_space<hbm>> -> memref<80x128xf32, #tpu.memory_space<hbm>>
      %dma_wait3A_61 = arith.constant 0 : i32
      %dma_wait3A_62 = arith.constant 0 : i32
      %dma_wait3A_63 = tpu.memref_slice %arg8[%dma_wait3A_53, %dma_wait3A_61, %dma_wait3A_62] : memref<2x80x128xf32, #tpu.memory_space<vmem>> -> memref<1x80x128xf32, #tpu.memory_space<vmem>>
      %dma_wait3A_64 = tpu.memref_squeeze %dma_wait3A_63 : memref<1x80x128xf32, #tpu.memory_space<vmem>> -> memref<80x128xf32, #tpu.memory_space<vmem>>
      %dma_wait3A_65 = arith.constant 0 : i32
      %dma_wait3A_66 = arith.constant 0 : i32
      %dma_wait3A_67 = tpu.memref_slice %arg5[%dma_wait3A_65, %dma_wait3A_66] : memref<320x128xf32, #tpu.memory_space<hbm>> -> memref<80x128xf32, #tpu.memory_space<hbm>>
      tpu.wait_dma2 semaphore(%arg11 : memref<!tpu.dma_semaphore, #tpu.memory_space<semaphore_mem>>) src(%dma_wait3A_67 : memref<80x128xf32, #tpu.memory_space<hbm>>) dst(%dma_wait3A_64 : memref<80x128xf32, #tpu.memory_space<vmem>>)
      %run_scoped3A = arith.constant 0 : i32
      "tpu.region"() ({
        %run_scoped3A_101 = tpu.sem_alloc : memref<!tpu.dma_semaphore, #tpu.memory_space<semaphore_mem>>
        %dma_start3A_102 = arith.constant 0 : i32
        %dma_start3A_103 = arith.constant 0 : i32
        %dma_start3A_104 = tpu.memref_slice %arg8[%run_scoped3A, %dma_start3A_102, %dma_start3A_103] : memref<2x80x128xf32, #tpu.memory_space<vmem>> -> memref<1x80x128xf32, #tpu.memory_space<vmem>>
        %dma_start3A_105 = tpu.memref_squeeze %dma_start3A_104 : memref<1x80x128xf32, #tpu.memory_space<vmem>> -> memref<80x128xf32, #tpu.memory_space<vmem>>
        %dma_start3A_106 = arith.constant 0 : i32
        %dma_start3A_107 = tpu.memref_slice %arg9[%add3A_39, %dma_start3A_106] : memref<250x80xi32, #tpu.memory_space<vmem>> -> memref<1x80xi32, #tpu.memory_space<vmem>>
        %dma_start3A_108 = tpu.memref_squeeze %dma_start3A_107 : memref<1x80xi32, #tpu.memory_space<vmem>> -> memref<80xi32, #tpu.memory_space<vmem>>
        %dma_start3A_109 = arith.constant 0 : i32
        %dma_start3A_110 = arith.constant 0 : i32
        %dma_start3A_111 = tpu.memref_slice %arg7[%dma_start3A_109, %dma_start3A_110] : memref<5128x128xf32, #tpu.memory_space<vmem_shared>> -> memref<5128x128xf32, #tpu.memory_space<vmem_shared>>
        tpu.enqueue_indirect_dma source(%dma_start3A_105 : memref<80x128xf32, #tpu.memory_space<vmem>>) target(%dma_start3A_111 : memref<5128x128xf32, #tpu.memory_space<vmem_shared>>) offsets(%dma_start3A_108 : memref<80xi32, #tpu.memory_space<vmem>>) semaphore(%run_scoped3A_101 : memref<!tpu.dma_semaphore, #tpu.memory_space<semaphore_mem>>) {add = true}
        %dma_wait3A_112 = arith.constant 0 : i32
        %dma_wait3A_113 = arith.constant 0 : i32
        %dma_wait3A_114 = tpu.memref_slice %arg8[%run_scoped3A, %dma_wait3A_112, %dma_wait3A_113] : memref<2x80x128xf32, #tpu.memory_space<vmem>> -> memref<1x80x128xf32, #tpu.memory_space<vmem>>
        %dma_wait3A_115 = tpu.memref_squeeze %dma_wait3A_114 : memref<1x80x128xf32, #tpu.memory_space<vmem>> -> memref<80x128xf32, #tpu.memory_space<vmem>>
        %dma_wait3A_116 = arith.constant 0 : i32
        %dma_wait3A_117 = tpu.memref_slice %arg9[%add3A_39, %dma_wait3A_116] : memref<250x80xi32, #tpu.memory_space<vmem>> -> memref<1x80xi32, #tpu.memory_space<vmem>>
        %dma_wait3A_118 = tpu.memref_squeeze %dma_wait3A_117 : memref<1x80xi32, #tpu.memory_space<vmem>> -> memref<80xi32, #tpu.memory_space<vmem>>
        %dma_wait3A_119 = arith.constant 0 : i32
        %dma_wait3A_120 = arith.constant 0 : i32
        %dma_wait3A_121 = tpu.memref_slice %arg7[%dma_wait3A_119, %dma_wait3A_120] : memref<5128x128xf32, #tpu.memory_space<vmem_shared>> -> memref<5128x128xf32, #tpu.memory_space<vmem_shared>>
        tpu.wait_indirect_dma semaphore(%run_scoped3A_101 : memref<!tpu.dma_semaphore, #tpu.memory_space<semaphore_mem>>) src(%dma_wait3A_115 : memref<80x128xf32, #tpu.memory_space<vmem>>) dst(%dma_wait3A_121 : memref<5128x128xf32, #tpu.memory_space<vmem_shared>>)
        tpu.yield
      }) : () -> ()
      %mul3A_68 = arith.constant 2 : i32
      %mul3A_69 = arith.muli %mul3A_68, %scan3A_35 : i32
      %add3A_70 = arith.constant 1 : i32
      %add3A_71 = arith.addi %mul3A_69, %add3A_70 : i32
      %add3A_72 = arith.constant 1 : i32
      %add3A_73 = arith.addi %add3A_71, %add3A_72 : i32
      %dma_start3A_74 = arith.constant 0 : i32
      %dma_start3A_75 = arith.constant 0 : i32
      %dma_start3A_76 = arith.constant 0 : i32
      %dma_start3A_77 = tpu.memref_slice %arg8[%dma_start3A_74, %dma_start3A_75, %dma_start3A_76] : memref<2x80x128xf32, #tpu.memory_space<vmem>> -> memref<1x80x128xf32, #tpu.memory_space<vmem>>
      %dma_start3A_78 = tpu.memref_squeeze %dma_start3A_77 : memref<1x80x128xf32, #tpu.memory_space<vmem>> -> memref<80x128xf32, #tpu.memory_space<vmem>>
      %dma_start3A_79 = arith.constant 0 : i32
      %dma_start3A_80 = tpu.memref_slice %arg10[%add3A_73, %dma_start3A_79] : memref<252x80xi32, #tpu.memory_space<vmem>> -> memref<1x80xi32, #tpu.memory_space<vmem>>
      %dma_start3A_81 = tpu.memref_squeeze %dma_start3A_80 : memref<1x80xi32, #tpu.memory_space<vmem>> -> memref<80xi32, #tpu.memory_space<vmem>>
      %dma_start3A_82 = arith.constant 0 : i32
      %dma_start3A_83 = arith.constant 0 : i32
      %dma_start3A_84 = tpu.memref_slice %arg2[%dma_start3A_82, %dma_start3A_83] : memref<10240x128xf32, #tpu.memory_space<hbm>> -> memref<10240x128xf32, #tpu.memory_space<hbm>>
      tpu.enqueue_indirect_dma source(%dma_start3A_84 : memref<10240x128xf32, #tpu.memory_space<hbm>>) target(%dma_start3A_78 : memref<80x128xf32, #tpu.memory_space<vmem>>) offsets(%dma_start3A_81 : memref<80xi32, #tpu.memory_space<vmem>>) semaphore(%arg11 : memref<!tpu.dma_semaphore, #tpu.memory_space<semaphore_mem>>)
      %dma_wait3A_85 = arith.constant 1 : i32
      %dma_wait3A_86 = arith.constant 0 : i32
      %dma_wait3A_87 = arith.constant 0 : i32
      %dma_wait3A_88 = tpu.memref_slice %arg8[%dma_wait3A_85, %dma_wait3A_86, %dma_wait3A_87] : memref<2x80x128xf32, #tpu.memory_space<vmem>> -> memref<1x80x128xf32, #tpu.memory_space<vmem>>
      %dma_wait3A_89 = tpu.memref_squeeze %dma_wait3A_88 : memref<1x80x128xf32, #tpu.memory_space<vmem>> -> memref<80x128xf32, #tpu.memory_space<vmem>>
      %dma_wait3A_90 = arith.constant 0 : i32
      %dma_wait3A_91 = arith.constant 0 : i32
      %dma_wait3A_92 = tpu.memref_slice %arg5[%dma_wait3A_90, %dma_wait3A_91] : memref<320x128xf32, #tpu.memory_space<hbm>> -> memref<80x128xf32, #tpu.memory_space<hbm>>
      %dma_wait3A_93 = arith.constant 0 : i32
      %dma_wait3A_94 = arith.constant 0 : i32
      %dma_wait3A_95 = tpu.memref_slice %arg8[%dma_wait3A_85, %dma_wait3A_93, %dma_wait3A_94] : memref<2x80x128xf32, #tpu.memory_space<vmem>> -> memref<1x80x128xf32, #tpu.memory_space<vmem>>
      %dma_wait3A_96 = tpu.memref_squeeze %dma_wait3A_95 : memref<1x80x128xf32, #tpu.memory_space<vmem>> -> memref<80x128xf32, #tpu.memory_space<vmem>>
      %dma_wait3A_97 = arith.constant 0 : i32
      %dma_wait3A_98 = arith.constant 0 : i32
      %dma_wait3A_99 = tpu.memref_slice %arg5[%dma_wait3A_97, %dma_wait3A_98] : memref<320x128xf32, #tpu.memory_space<hbm>> -> memref<80x128xf32, #tpu.memory_space<hbm>>
      tpu.wait_dma2 semaphore(%arg12 : memref<!tpu.dma_semaphore, #tpu.memory_space<semaphore_mem>>) src(%dma_wait3A_99 : memref<80x128xf32, #tpu.memory_space<hbm>>) dst(%dma_wait3A_96 : memref<80x128xf32, #tpu.memory_space<vmem>>)
      %run_scoped3A_100 = arith.constant 1 : i32
      "tpu.region"() ({
        %run_scoped3A_101 = tpu.sem_alloc : memref<!tpu.dma_semaphore, #tpu.memory_space<semaphore_mem>>
        %dma_start3A_102 = arith.constant 0 : i32
        %dma_start3A_103 = arith.constant 0 : i32
        %dma_start3A_104 = tpu.memref_slice %arg8[%run_scoped3A_100, %dma_start3A_102, %dma_start3A_103] : memref<2x80x128xf32, #tpu.memory_space<vmem>> -> memref<1x80x128xf32, #tpu.memory_space<vmem>>
        %dma_start3A_105 = tpu.memref_squeeze %dma_start3A_104 : memref<1x80x128xf32, #tpu.memory_space<vmem>> -> memref<80x128xf32, #tpu.memory_space<vmem>>
        %dma_start3A_106 = arith.constant 0 : i32
        %dma_start3A_107 = tpu.memref_slice %arg9[%add3A_71, %dma_start3A_106] : memref<250x80xi32, #tpu.memory_space<vmem>> -> memref<1x80xi32, #tpu.memory_space<vmem>>
        %dma_start3A_108 = tpu.memref_squeeze %dma_start3A_107 : memref<1x80xi32, #tpu.memory_space<vmem>> -> memref<80xi32, #tpu.memory_space<vmem>>
        %dma_start3A_109 = arith.constant 0 : i32
        %dma_start3A_110 = arith.constant 0 : i32
        %dma_start3A_111 = tpu.memref_slice %arg7[%dma_start3A_109, %dma_start3A_110] : memref<5128x128xf32, #tpu.memory_space<vmem_shared>> -> memref<5128x128xf32, #tpu.memory_space<vmem_shared>>
        tpu.enqueue_indirect_dma source(%dma_start3A_105 : memref<80x128xf32, #tpu.memory_space<vmem>>) target(%dma_start3A_111 : memref<5128x128xf32, #tpu.memory_space<vmem_shared>>) offsets(%dma_start3A_108 : memref<80xi32, #tpu.memory_space<vmem>>) semaphore(%run_scoped3A_101 : memref<!tpu.dma_semaphore, #tpu.memory_space<semaphore_mem>>) {add = true}
        %dma_wait3A_112 = arith.constant 0 : i32
        %dma_wait3A_113 = arith.constant 0 : i32
        %dma_wait3A_114 = tpu.memref_slice %arg8[%run_scoped3A_100, %dma_wait3A_112, %dma_wait3A_113] : memref<2x80x128xf32, #tpu.memory_space<vmem>> -> memref<1x80x128xf32, #tpu.memory_space<vmem>>
        %dma_wait3A_115 = tpu.memref_squeeze %dma_wait3A_114 : memref<1x80x128xf32, #tpu.memory_space<vmem>> -> memref<80x128xf32, #tpu.memory_space<vmem>>
        %dma_wait3A_116 = arith.constant 0 : i32
        %dma_wait3A_117 = tpu.memref_slice %arg9[%add3A_71, %dma_wait3A_116] : memref<250x80xi32, #tpu.memory_space<vmem>> -> memref<1x80xi32, #tpu.memory_space<vmem>>
        %dma_wait3A_118 = tpu.memref_squeeze %dma_wait3A_117 : memref<1x80xi32, #tpu.memory_space<vmem>> -> memref<80xi32, #tpu.memory_space<vmem>>
        %dma_wait3A_119 = arith.constant 0 : i32
        %dma_wait3A_120 = arith.constant 0 : i32
        %dma_wait3A_121 = tpu.memref_slice %arg7[%dma_wait3A_119, %dma_wait3A_120] : memref<5128x128xf32, #tpu.memory_space<vmem_shared>> -> memref<5128x128xf32, #tpu.memory_space<vmem_shared>>
        tpu.wait_indirect_dma semaphore(%run_scoped3A_101 : memref<!tpu.dma_semaphore, #tpu.memory_space<semaphore_mem>>) src(%dma_wait3A_115 : memref<80x128xf32, #tpu.memory_space<vmem>>) dst(%dma_wait3A_121 : memref<5128x128xf32, #tpu.memory_space<vmem_shared>>)
        tpu.yield
      }) : () -> ()
    }
    %scan3A_19 = arith.constant 125 : i32
    %dma_wait3A = arith.constant 0 : i32
    %dma_wait3A_20 = arith.constant 0 : i32
    %dma_wait3A_21 = arith.constant 0 : i32
    %dma_wait3A_22 = tpu.memref_slice %arg8[%dma_wait3A, %dma_wait3A_20, %dma_wait3A_21] : memref<2x80x128xf32, #tpu.memory_space<vmem>> -> memref<1x80x128xf32, #tpu.memory_space<vmem>>
    %dma_wait3A_23 = tpu.memref_squeeze %dma_wait3A_22 : memref<1x80x128xf32, #tpu.memory_space<vmem>> -> memref<80x128xf32, #tpu.memory_space<vmem>>
    %dma_wait3A_24 = arith.constant 0 : i32
    %dma_wait3A_25 = arith.constant 0 : i32
    %dma_wait3A_26 = tpu.memref_slice %arg5[%dma_wait3A_24, %dma_wait3A_25] : memref<320x128xf32, #tpu.memory_space<hbm>> -> memref<80x128xf32, #tpu.memory_space<hbm>>
    %dma_wait3A_27 = arith.constant 0 : i32
    %dma_wait3A_28 = arith.constant 0 : i32
    %dma_wait3A_29 = tpu.memref_slice %arg8[%dma_wait3A, %dma_wait3A_27, %dma_wait3A_28] : memref<2x80x128xf32, #tpu.memory_space<vmem>> -> memref<1x80x128xf32, #tpu.memory_space<vmem>>
    %dma_wait3A_30 = tpu.memref_squeeze %dma_wait3A_29 : memref<1x80x128xf32, #tpu.memory_space<vmem>> -> memref<80x128xf32, #tpu.memory_space<vmem>>
    %dma_wait3A_31 = arith.constant 0 : i32
    %dma_wait3A_32 = arith.constant 0 : i32
    %dma_wait3A_33 = tpu.memref_slice %arg5[%dma_wait3A_31, %dma_wait3A_32] : memref<320x128xf32, #tpu.memory_space<hbm>> -> memref<80x128xf32, #tpu.memory_space<hbm>>
    tpu.wait_dma2 semaphore(%arg11 : memref<!tpu.dma_semaphore, #tpu.memory_space<semaphore_mem>>) src(%dma_wait3A_33 : memref<80x128xf32, #tpu.memory_space<hbm>>) dst(%dma_wait3A_30 : memref<80x128xf32, #tpu.memory_space<vmem>>)
    %barrier3A_34 = arith.constant 0 : index
    tpu.barrier barrier_id(%barrier3A_34)
    "tpu.region"() ({
      %run_scoped3A = tpu.sem_alloc : memref<!tpu.dma_semaphore, #tpu.memory_space<semaphore_mem>>
      %dma_start3A_35 = arith.constant 0 : i32
      %dma_start3A_36 = tpu.memref_slice %arg6[%add3A, %dma_start3A_35] : memref<10240x128xf32, #tpu.memory_space<hbm>> -> memref<320x128xf32, #tpu.memory_space<hbm>>
      %dma_start3A_37 = arith.constant 0 : i32
      %dma_start3A_38 = tpu.memref_slice %arg7[%mul3A_0, %dma_start3A_37] : memref<5128x128xf32, #tpu.memory_space<vmem_shared>> -> memref<320x128xf32, #tpu.memory_space<vmem_shared>>
      tpu.enqueue_dma source(%dma_start3A_38 : memref<320x128xf32, #tpu.memory_space<vmem_shared>>) target(%dma_start3A_36 : memref<320x128xf32, #tpu.memory_space<hbm>>) target_semaphore(%run_scoped3A : memref<!tpu.dma_semaphore, #tpu.memory_space<semaphore_mem>>)
      %dma_wait3A_39 = arith.constant 0 : i32
      %dma_wait3A_40 = tpu.memref_slice %arg6[%add3A, %dma_wait3A_39] : memref<10240x128xf32, #tpu.memory_space<hbm>> -> memref<320x128xf32, #tpu.memory_space<hbm>>
      %dma_wait3A_41 = arith.constant 0 : i32
      %dma_wait3A_42 = tpu.memref_slice %arg7[%mul3A_0, %dma_wait3A_41] : memref<5128x128xf32, #tpu.memory_space<vmem_shared>> -> memref<320x128xf32, #tpu.memory_space<vmem_shared>>
      tpu.wait_dma2 semaphore(%run_scoped3A : memref<!tpu.dma_semaphore, #tpu.memory_space<semaphore_mem>>) src(%dma_wait3A_42 : memref<320x128xf32, #tpu.memory_space<vmem_shared>>) dst(%dma_wait3A_40 : memref<320x128xf32, #tpu.memory_space<hbm>>)
      tpu.yield
    }) : () -> ()
    return
  }
}

</mosaic_0001>

<sc_bundles>
// kernel: kernel.12.cloned.1.call-start
scs
__scs_entry_jumppad:
0x0: {  	(pc) =	sbr.rel $0x88, $3  }
0x1: {  	(tag) =	ssettag $0x0;
	lr =	simm.s32 $0x1  }
0x2: {  	[smem:$0x3F9F] =	sst lr;
	_ =	strace $0xD0000000  }
0x3: {  	_ = 	snop  }
0x4: {  	_ = 	snop  }
0x5: {  	_ = 	snop  }
0x6: {  	_ = 	snop  }
0x7: {  	_ = 	snop  }
__scs_overlays_trampoline_lowered:
0x8: {  	[smem:$0x3FAE] =	sst s0  }
0x9: {  	[smem:$0x3FAF] =	sst s1  }
0xa: {  	[smem:$0x3FB0] =	sst s2  }
0xb: {  	[smem:$0x3FB1] =	sst s3  }
0xc: {  	[smem:$0x3FB2] =	sst s4  }
0xd: {  	[smem:$0x3FB3] =	sst s5  }
0xe: {  	[smem:$0x3FB4] =	sst s6  }
0xf: {  	[smem:$0x3FB5] =	sst s7  }
0x10: {  	[smem:$0x3FB6] =	sst s8  }
0x11: {  	[smem:$0x3FB7] =	sst s9;
	s0 =	simm.s32 @!p0 $0x0  }
0x12: {  	s1 =	sld [smem:$0x3F9D];
	s0 =	simm.s32 @p0 $0x1  }
0x13: {  	[smem:$0x3FB8] =	sst s0;
	s0 =	simm.s32 @!p1 $0x0  }
0x14: {  	s2 =	sld [smem:$0x3F9C];
	s0 =	simm.s32 @p1 $0x1  }
0x15: {  	[smem:$0x3FB9] =	sst s0;
	s0 =	simm.s32 @!p2 $0x0  }
0x16: {  	s3 =	sld [smem:$0x3FDB];
	s0 =	simm.s32 @p2 $0x1  }
0x17: {  	s4 =	simm.s32 $0x1BF5;
	[smem:$0x3FBB] =	sst s0  }
0x18: {  	s0 =	sld [smem:$0x3F9E];
	_ =	swait.ge [sflag:s4], $0x0  }
0x19: {  	s7 =	sld [smem:$0x3F9F]  }
0x1a: {  	s8 =	sadd.s32 $0xFFFFE003, lr  }
0x1b: {  	s9 =	sadd.s32 $0xFFFFFEF7, lr;
	s5 =	simm.s32 $0xFFFFFFFF;
	p2 =	slt.u32 s8, $0xFFFFF086  }
0x1c: {  	p1 =	slt.u32 s9, $0xF7A;
	s5 =	simm.s32 @!p2 $0x0  }
0x1d: {  	s5 =	simm.s32 @p1 $0x1;
	p0 =	seq.s32 s7, s2  }
0x1e: {  	s7 =	smul.u32 @!p0 $0xF7A, s2;
	p2 =	seq.s32 @!p0 s5, $0x0  }
0x1f: {  	s9 =	smul.u32 $0xF7A, s1;
	s8 =	simm.s32 @!p0 $0x1BF5;
	p2 =	por !p2, p0  }
0x20: {  	[sflag:s8] =	ssyncset.s32 @!p0 $0xFFFFF086;
	s6 =	sadd.s32 @!p0 s3, s7;
	s7 =	simm.s32 @!p0 $0x108  }
0x21: {  	s3 =	sadd.s32 s3, s9;
	s6 =	sadd.s32 @!p0 $0x88, s6;
	s7 =	simm.s32 @p2 $0x1082  }
0x22: {  	[simem:s7], [sflag:s8] =	dma.local @!p0 [hbm:s6], $0xF7A  }
0x23: {  	s9 =	sor.u32 $0xD0000000, s2;
	s6 =	simm.s32 $0x108;
	_ =	swait.ge @!p0 [sflag:s8], $0x0  }
0x24: {  	s3 =	sadd.s32 $0x88, s3;
	s6 =	simm.s32 @!p1 $0x1082;
	[sflag:s4] =	ssyncset.s32 $0xFFFFF086  }
0x25: {  	[simem:s6], [sflag:s4] =	dma.local [hbm:s3], $0xF7A  }
0x26: {  	[smem:$0x3F9F] =	sst s1;
	(tag) =	ssettag s2;
	_ =	strace s9  }
0x27: {  	s1 =	sld [smem:$0x3FAF]  }
0x28: {  	s2 =	sld [smem:$0x3FB0]  }
0x29: {  	s4 =	sld [smem:$0x3FB2]  }
0x2a: {  	p0 =	seq.s32 s5, $0x0;
	s5 =	sld [smem:$0x3FB3]  }
0x2b: {  	s6 =	sld [smem:$0x3FB4]  }
0x2c: {  	s7 =	sld [smem:$0x3FB5]  }
0x2d: {  	s3 =	simm.s32 $0x108;
	s8 =	sld [smem:$0x3FB6]  }
0x2e: {  	s3 =	simm.s32 @!p0 $0x1082;
	s9 =	sld [smem:$0x3FB7]  }
0x2f: {  	lr =	sadd.s32 s0, s3;
	s0 =	sld [smem:$0x3FAE]  }
0x30: {  	s3 =	sld [smem:$0x3FB1]  }
0x31: {  	[smem:$0x3FBA] =	sst s10  }
0x32: {  	s10 =	sld [smem:$0x3FB8];
	_ =	sdelay $0x3  }
0x33: {  	p0 =	seq.s32 s10, $0x1;
	s10 =	sld [smem:$0x3FBA];
	_ =	sdelay $0x3  }
0x34: {  	[smem:$0x3FBA] =	sst s10  }
0x35: {  	s10 =	sld [smem:$0x3FB9];
	_ =	sdelay $0x3  }
0x36: {  	p1 =	seq.s32 s10, $0x1;
	s10 =	sld [smem:$0x3FBA];
	_ =	sdelay $0x3  }
0x37: {  	[smem:$0x3FBA] =	sst s10  }
0x38: {  	s10 =	sld [smem:$0x3FBB]  }
0x39: {  	_ = 	snop;
	(pc) =	sbr.ind lr, $3  }
0x3a: {  	_ = 	snop  }
0x3b: {  	_ = 	snop  }
0x3c: {  	p2 =	seq.s32 s10, $0x1;
	s10 =	sld [smem:$0x3FBA]  }
0x3d: {  	_ =	shalt  }
0x3e: {  	_ =	shalt  }
0x3f: {  	_ =	shalt  }
0x40: {  	_ =	shalt  }
0x41: {  	_ =	shalt  }
0x42: {  	_ =	shalt  }
0x43: {  	_ =	shalt  }
0x44: {  	_ =	shalt  }
0x45: {  	_ =	shalt  }
0x46: {  	_ =	shalt  }
0x47: {  	_ =	shalt  }
0x48: {  	_ =	shalt  }
0x49: {  	_ =	shalt  }
0x4a: {  	_ =	shalt  }
0x4b: {  	_ =	shalt  }
0x4c: {  	_ =	shalt  }
0x4d: {  	_ =	shalt  }
0x4e: {  	_ =	shalt  }
0x4f: {  	_ =	shalt  }
0x50: {  	_ =	shalt  }
0x51: {  	_ =	shalt  }
0x52: {  	_ =	shalt  }
0x53: {  	_ =	shalt  }
0x54: {  	_ =	shalt  }
0x55: {  	_ =	shalt  }
0x56: {  	_ =	shalt  }
0x57: {  	_ =	shalt  }
0x58: {  	_ =	shalt  }
0x59: {  	_ =	shalt  }
0x5a: {  	_ =	shalt  }
0x5b: {  	_ =	shalt  }
0x5c: {  	_ =	shalt  }
0x5d: {  	_ =	shalt  }
0x5e: {  	_ =	shalt  }
0x5f: {  	_ =	shalt  }
0x60: {  	_ =	shalt  }
0x61: {  	_ =	shalt  }
0x62: {  	_ =	shalt  }
0x63: {  	_ =	shalt  }
0x64: {  	_ =	shalt  }
0x65: {  	_ =	shalt  }
0x66: {  	_ =	shalt  }
0x67: {  	_ =	shalt  }
0x68: {  	_ =	shalt  }
0x69: {  	_ =	shalt  }
0x6a: {  	_ =	shalt  }
0x6b: {  	_ =	shalt  }
0x6c: {  	_ =	shalt  }
0x6d: {  	_ =	shalt  }
0x6e: {  	_ =	shalt  }
0x6f: {  	_ =	shalt  }
0x70: {  	_ =	shalt  }
0x71: {  	_ =	shalt  }
0x72: {  	_ =	shalt  }
0x73: {  	_ =	shalt  }
0x74: {  	_ =	shalt  }
0x75: {  	_ =	shalt  }
0x76: {  	_ =	shalt  }
0x77: {  	_ =	shalt  }
0x78: {  	_ =	shalt  }
0x79: {  	_ =	shalt  }
0x7a: {  	_ =	shalt  }
0x7b: {  	_ =	shalt  }
0x7c: {  	_ =	shalt  }
0x7d: {  	_ =	shalt  }
0x7e: {  	_ =	shalt  }
0x7f: {  	_ =	shalt  }
0x80: {  	_ =	shalt  }
0x81: {  	_ =	shalt  }
0x82: {  	_ =	shalt  }
0x83: {  	_ =	shalt  }
0x84: {  	_ =	shalt  }
0x85: {  	_ =	shalt  }
0x86: {  	_ =	shalt  }
0x87: {  	_ =	shalt  }
.Lfunc_end0:
.L_simem_size_0:
called_computation.2_lowered:
.L_overlay_start_0:
0x88: {  	s2 =	sld [smem:$0x3FD9]  }
0x89: {  	s3 =	sld [smem:$0x3FFE];
	_ =	sdelay $0x1  }
0x8a: {  	s1 =	srdreg.scid  }
0x8b: {  	s0 =	sand.u32 $0x1, s1  }
0x8c: {  	s16 =	sshll.u32 s0, $0xA;
	s2 =	sadd.s32 s3, s2  }
0x8d: {  	s2 =	sadd.s32 s2, s16  }
0x8e: {  	[smem:$0x3FC6] =	sst s2  }
0x8f: {  	_ = 	snop  }
0x90: {  	(tm) =	ssettm $0x1  }
0x91: {  	s17 =	sld [smem:$0x3FFB];
	_ =	sdelay $0x3  }
0x92: {  	_ =	strace s17  }
0x93: {  	s2 =	sld [smem:$0x3FFC];
	_ =	sdelay $0x3  }
0x94: {  	_ =	strace s2  }
0x95: {  	s2 =	sld [smem:$0x3FFD];
	_ =	sdelay $0x3  }
0x96: {  	_ =	strace s2  }
0x97: {  	_ =	strace $0x8FFFFFFF  }
0x98: {  	s18 =	sld [smem:$0x3FDB];
	_ =	sdelay $0x1  }
0x99: {  	s19 =	simm.s32 $_scs_section_size  }
0x9a: {  	s4 =	simm.s32 $_size__tile_overlayer_lowered;
	s5 =	simm.s32 $_tile_overlayer_lowered  }
0x9b: {  	s22 =	simm.s32 $0x1BFF;
	s21 =	sshll.u32 s5, $0x1;
	s2 =	sadd.s32 s19, s18  }
0x9c: {  	s6 =	simm.s32 $0x0;
	s20 =	sshll.u32 s4, $0x1;
	s4 =	sadd.s32 s21, s2  }
0x9d: {  	[timem:s6], [sflag:s22] =	dma.local [hbm:s4], s20  }
0x9e: {  	_ =	swait.ge [sflag:s22], s20  }
0x9f: {  	s3 =	ssub.s32 $0x0, s20;
	[sflag:s22] =	ssyncset.done $0x0  }
0xa0: {  	[sflag:s22] =	ssyncadd.s32 s3;
	_ =	sdelay $0x1  }
0xa1: {  	s23 =	simm.s32 $0x1B8B  }
0xa2: {  	_ =	swait.ge [sflag:s23], $0x1  }
0xa3: {  	[sflag:s23] =	ssyncset.done $0x0  }
0xa4: {  	s25 =	simm.s32 $0x1B8E;
	s24 =	sld [smem:$0x3FFE];
	[sflag:s23] =	ssyncadd.s32 $0xFFFFFFFF  }
0xa5: {  	s26 =	simm.s32 $execute0_lowered;
	[smem:$0x3FD2] =	sst s25  }
0xa6: {  	s4 =	sshll.u32 s26, $0x1;
	_ =	strace $0x8000004C;
	[dreg:$0x1] =	wrdreg $0xFFFFFFFF  }
0xa7: {  	s28 =	simm.s32 $_size_execute0_lowered;
	s2 =	sadd.s32 s2, s4;
	[dreg:$0x0] =	wrdreg $0x0  }
0xa8: {  	s4 =	sshll.u32 s28, $0x1;
	[dreg:$0x2] =	wrdreg s2  }
0xa9: {  	[dreg:$0x3] =	wrdreg s4  }
0xaa: {  	[dreg:$0x4] =	wrdreg $0xC0  }
0xab: {  	_ =	task [dreg:s6], $0x5FFFF  }
0xac: {  	[dreg:$0x1] =	wrdreg $0xFFFFFFFF  }
0xad: {  	[dreg:$0x0] =	wrdreg $0x60  }
0xae: {  	[dreg:$0x2] =	wrdreg s24  }
0xaf: {  	[dreg:$0x3] =	wrdreg $0x0  }
0xb0: {  	[dreg:$0x4] =	wrdreg $0x9  }
0xb1: {  	_ =	task.clear_ibuf [dreg:s6], $0x5FFFF;
	_ =	strace $0x9000004C  }
0xb2: {  	s29 =	simm.s32 $0x9;
	_ =	strace $0x8000004E  }
0xb3: {  	_ =	swait.ge [sflag:s29], $0x1  }
0xb4: {  	[sflag:s29] =	ssyncadd.s32 $0xFFFFFFFF  }
0xb5: {  	_ =	strace $0x9000004E  }
0xb6: {  	_ =	sfence  }
0xb7: {  	s30 =	sld [smem:$0x0];
	_ =	sdelay $0x2  }
0xb8: {  	s31 =	sshll.u32 s1, $0xD;
	s1 =	sshrl.u32 s1, $0x2  }
0xb9: {  	s3 =	sand.u32 $0x4000, s31;
	s1 =	sadd.s32 s1, s30  }
0xba: {  	s0 =	sor.u32 s3, s0;
	s1 =	sshll.u32 s1, $0x11  }
0xbb: {  	s0 =	sor.u32 s1, s0  }
0xbc: {  	s0 =	sadd.s32 $0x8F2B, s0  }
0xbd: {  	[sflag:s0] =	ssyncadd.remote.s32 $0x1  }
0xbe: {  	_ =	sfence.sel $0xFFFF  }
0xbf: {  	[dreg:$0x0] =	wrdreg $0xFFFFFFFF;
	(pc) =	sbr.abs _section_cstart, $3  }
0xc0: {  	[dreg:$0x1] =	wrdreg $0xFFFFFFFF  }
0xc1: {  	_ =	task.clear_ibuf [dreg:s6], $0x2FFFF;
	_ =	strace $0x9FFFFFFF  }
0xc2: {  	(tm) =	ssettm $0x7FFFFFFF  }
0xc3: {  	_ =	shalt  }
tec
execute0_lowered:
.L_overlay_start_1:
0x0: {  	(tag) =	ssettag $0x1  }
0x1: {  	s6 =	rddreg [dreg:$0x0]  }
0x2: {  	s2 =	rddreg [dreg:$0x1]  }
0x3: {  	s0 =	rddreg [dreg:$0x2]  }
0x4: {  	s1 =	stileid.u32;
	s4 =	srdreg.scid  }
0x5: {  	s3 =	simm.s32 $0x0;
	s15 =	simm.s32 $0x50;
	s16 =	simm.s32 $0xA040  }
0x6: {  	s17 =	simm.s32 $0xC840;
	s18 =	simm.s32 $0x1;
	s19 =	simm.s32 $0x2  }
0x7: {  	s20 =	simm.s32 $0x0;
	s7 =	sand.u32 $0x1, s4;
	s8 =	smul.u32 $0x1400, s1  }
0x8: {  	[smem:$0x7FF] =	sst s3;
	s5 =	sshll.u32 s1, $0xC;
	s12 =	smul.u32 $0x28000, s1  }
0x9: {  	s4 =	sadd.s32 $0x5AE00, s6;
	s13 =	sshll.u32 s1, $0x6;
	s9 =	smul.u32 $0x14000, s7  }
0xa: {  	_ =	strace $0x8000004D;
	s10 =	sadd.s32 s5, s6;
	s5 =	sadd.s32 $0x59A00, s6  }
0xb: {  	s29 =	ssub.s32 $0x2, s7;
	s7 =	sshll.u32 s7, $0x10;
	s13 =	sor.u32 $0x1C03, s13  }
0xc: {  	s11 =	sshrl.u32 s29, $0x1;
	s30 =	sadd.s32 s7, s10;
	s7 =	sadd.s32 $0x29A00, s10  }
0xd: {  	s31 =	sshrl.u32 s12, $0x2;
	s10 =	simm.s32 $0xF040;
	s12 =	simm.s32 $0x17040  }
0xe: {  	s8 =	sadd.s32 s8, s9;
	s9 =	ssub.s32 s29, s11;
	s14 =	sadd.s32 s31, s2  }
0xf: {  	s11 =	simm.s32 $0x3;
	s8 =	sadd.s32 s8, s6;
	s6 =	sadd.s32 $0x39A00, s30  }
0x10: {  	s9 =	smax.u32 s9, $0x1;
	s14 =	sshrl.u32 s14, $0x3;
	s8 =	sadd.s32 $0x1A00, s8  }
.LBB2_1:
0x11: {  	[tilespmem:s10], [sflag:$0x3] =	stream.linear.gather [hbm4b:s6+s3], $0x7D00, $0x38;
	[tilespmem:$0x1F040] =	vst v63  }
0x12: {  	_ =	swait.ge [sflag:s11], $0x7D00  }
0x13: {  	[sflag:s11] =	ssyncset.done $0x0  }
0x14: {  	[sflag:s11] =	ssyncadd.s32 $0xFFFF8300  }
0x15: {  	[tilespmem:s12], [sflag:$0x3] =	stream.linear.gather [hbm4b:s7+s3], $0x7E00, $0x38;
	[tilespmem:$0x1F040] =	vst v63  }
0x16: {  	_ =	swait.ge [sflag:s11], $0x7E00  }
0x17: {  	[sflag:s11] =	ssyncset.done $0x0  }
0x18: {  	[sflag:s11] =	ssyncadd.s32 $0xFFFF8200  }
0x19: {  	[spmem:s14], [sflag:s13] =	dma.local [hbm:s5], $0x1400  }
0x1a: {  	_ =	swait.ge [sflag:s11], $0x1400  }
0x1b: {  	[sflag:s11] =	ssyncset.done $0x0  }
0x1c: {  	[sflag:s11] =	ssyncadd.s32 $0xFFFFEC00  }
0x1d: {  	[bflag:$0x0] =	sbarrier.arrive $0xFFFF  }
0x1e: {  	[tilespmem:s16], [sflag:$0x1] =	stream.indirect.gather [hbm4b:s4+s15], $0x80, s12, s15, $0xb8;
	[tilespmem:$0x1F040] =	vst v63  }
0x1f: {  	s21 =	simm.s32 $0x170C0  }
0x20: {  	[tilespmem:s17], [sflag:$0x2] =	stream.indirect.gather [hbm4b:s4+s15], $0x80, s21, s15, $0xb8;
	[tilespmem:$0x1F040] =	vst v63  }
0x21: {  	_ =	swait.ge [sflag:s18], $0x2800  }
0x22: {  	[sflag:s18] =	ssyncset.done $0x0  }
0x23: {  	s29 =	simm.s32 $0xF040;
	[sflag:s18] =	ssyncadd.s32 $0xFFFFD800  }
0x24: {  	[spmem:s2] =	stream.indirect.scatter.add.f32 [tilespmem:s16], [sflag:$0x3], $0x80, s29, s15, $0xb8;
	[tilespmem:$0x1F040] =	vst v63  }
0x25: {  	_ =	swait.ge [sflag:s11], $0x2800  }
0x26: {  	[sflag:s11] =	ssyncset.done $0x0  }
0x27: {  	s30 =	simm.s32 $0x17140;
	[sflag:s11] =	ssyncadd.s32 $0xFFFFD800  }
0x28: {  	[tilespmem:s16], [sflag:$0x1] =	stream.indirect.gather [hbm4b:s4+s15], $0x80, s30, s15, $0xb8;
	[tilespmem:$0x1F040] =	vst v63  }
0x29: {  	_ =	swait.ge [sflag:s19], $0x2800  }
0x2a: {  	[sflag:s19] =	ssyncset.done $0x0  }
0x2b: {  	s31 =	simm.s32 $0xF0C0;
	[sflag:s19] =	ssyncadd.s32 $0xFFFFD800  }
0x2c: {  	[spmem:s2] =	stream.indirect.scatter.add.f32 [tilespmem:s17], [sflag:$0x3], $0x80, s31, s15, $0xb8;
	[tilespmem:$0x1F040] =	vst v63  }
0x2d: {  	_ =	swait.ge [sflag:s11], $0x2800  }
0x2e: {  	s22 =	simm.s32 $0x800;
	s21 =	simm.s32 $0x100;
	[sflag:s11] =	ssyncset.done $0x0  }
.LBB2_2:
0x2f: {  	s23 =	sadd.s32 $0x170C0, s21  }
0x30: {  	[sflag:s11] =	ssyncadd.s32 $0xFFFFD800;
	s24 =	smov.u32 s22;
	s25 =	sadd.s32 $0x400, s22  }
0x31: {  	[tilespmem:s17], [sflag:$0x2] =	stream.indirect.gather [hbm4b:s4+s15], $0x80, s23, s15, $0xb8;
	[tilespmem:$0x1F040] =	vst v63  }
0x32: {  	p0 =	sne.s32 s22, $0x1F000;
	_ =	swait.ge [sflag:s18], $0x2800  }
0x33: {  	[sflag:s18] =	ssyncset.done $0x0  }
0x34: {  	s22 =	sadd.s32 $0xF040, s21;
	[sflag:s18] =	ssyncadd.s32 $0xFFFFD800  }
0x35: {  	[spmem:s2] =	stream.indirect.scatter.add.f32 [tilespmem:s16], [sflag:$0x3], $0x80, s22, s15, $0xb8;
	[tilespmem:$0x1F040] =	vst v63  }
0x36: {  	_ =	swait.ge [sflag:s11], $0x2800  }
0x37: {  	[sflag:s11] =	ssyncset.done $0x0  }
0x38: {  	s22 =	sadd.s32 $0x17140, s21;
	[sflag:s11] =	ssyncadd.s32 $0xFFFFD800  }
0x39: {  	[tilespmem:s16], [sflag:$0x1] =	stream.indirect.gather [hbm4b:s4+s15], $0x80, s22, s15, $0xb8;
	[tilespmem:$0x1F040] =	vst v63  }
0x3a: {  	_ =	swait.ge [sflag:s19], $0x2800  }
.Ltmp0:
0x3b: {  	[sflag:s19] =	ssyncset.done $0x0;
	(pc) =	sbr.rel @p0 .LBB2_2-.Ltmp0, $4  }
0x3c: {  	s21 =	sadd.s32 $0xF0C0, s21;
	[sflag:s19] =	ssyncadd.s32 $0xFFFFD800  }
0x3d: {  	[spmem:s2] =	stream.indirect.scatter.add.f32 [tilespmem:s17], [sflag:$0x3], $0x80, s21, s15, $0xb8;
	[tilespmem:$0x1F040] =	vst v63  }
0x3e: {  	_ =	swait.ge [sflag:s11], $0x2800  }
0x3f: {  	s22 =	smov.u32 s25;
	s21 =	sshra.s32 s24, $0x2;
	[sflag:s11] =	ssyncset.done $0x0  }
0x40: {  	s22 =	sadd.s32 $0x170C0, s21;
	[sflag:s11] =	ssyncadd.s32 $0xFFFFD800  }
0x41: {  	[tilespmem:s17], [sflag:$0x2] =	stream.indirect.gather [hbm4b:s4+s15], $0x80, s22, s15, $0xb8;
	[tilespmem:$0x1F040] =	vst v63  }
0x42: {  	_ =	swait.ge [sflag:s18], $0x2800  }
0x43: {  	[sflag:s18] =	ssyncset.done $0x0  }
0x44: {  	s29 =	sadd.s32 $0xF040, s21;
	[sflag:s18] =	ssyncadd.s32 $0xFFFFD800  }
0x45: {  	[spmem:s2] =	stream.indirect.scatter.add.f32 [tilespmem:s16], [sflag:$0x3], $0x80, s29, s15, $0xb8;
	[tilespmem:$0x1F040] =	vst v63  }
0x46: {  	_ =	swait.ge [sflag:s11], $0x2800  }
0x47: {  	[sflag:s11] =	ssyncset.done $0x0  }
0x48: {  	s30 =	sadd.s32 $0x17140, s21;
	[sflag:s11] =	ssyncadd.s32 $0xFFFFD800  }
0x49: {  	[tilespmem:s16], [sflag:$0x1] =	stream.indirect.gather [hbm4b:s4+s15], $0x80, s30, s15, $0xb8;
	[tilespmem:$0x1F040] =	vst v63  }
0x4a: {  	_ =	swait.ge [sflag:s19], $0x2800  }
0x4b: {  	[sflag:s19] =	ssyncset.done $0x0  }
0x4c: {  	s31 =	sadd.s32 $0xF0C0, s21;
	[sflag:s19] =	ssyncadd.s32 $0xFFFFD800  }
0x4d: {  	[spmem:s2] =	stream.indirect.scatter.add.f32 [tilespmem:s17], [sflag:$0x3], $0x80, s31, s15, $0xb8;
	[tilespmem:$0x1F040] =	vst v63  }
0x4e: {  	_ =	swait.ge [sflag:s11], $0x2800  }
0x4f: {  	[sflag:s11] =	ssyncset.done $0x0  }
0x50: {  	[sflag:s11] =	ssyncadd.s32 $0xFFFFD800  }
0x51: {  	_ =	swait.ge [sflag:s18], $0x2800  }
0x52: {  	s20 =	sadd.s32 $0x1, s20;
	[sflag:s18] =	ssyncset.done $0x0  }
0x53: {  	p0 =	sne.s32 s20, s9;
	[sflag:s18] =	ssyncadd.s32 $0xFFFFD800  }
.Ltmp1:
0x54: {  	[bflag:$0x0] =	sbarrier.arrive $0xFFFF;
	(pc) =	sbr.rel @p0 .LBB2_1-.Ltmp1, $4  }
0x55: {  	[hbm:s8], [sflag:s13] =	dma.local [spmem:s14], $0x1400  }
0x56: {  	_ =	swait.ge [sflag:s11], $0x1400  }
0x57: {  	[sflag:s11] =	ssyncset.done $0x0  }
0x58: {  	[sflag:s11] =	ssyncadd.s32 $0xFFFFEC00  }
0x59: {  	_ =	sfence.sel $0x180000  }
0x5a: {  	[bflag:$0x0] =	sbarrier.arrive $0xFFFF  }
0x5b: {  	p0 =	sne.s32 s1, $0x0;
	_ =	strace $0x9000004D  }
0x5c: {  	s0 =	sadd.s32 @!p0 $0x100000, s0;
	[bflag:$0x2] =	sbarrier.arrive $0xFFFF  }
0x5d: {  	[sflag:s0] =	ssyncadd.tile.s32 @!p0 $0x1;
	_ =	shalt  }
.Lfunc_end2:
_tile_overlayer_lowered:
.L_overlay_start_2:
0x5e: {  	(tag) =	ssettag $0x2  }
0x5f: {  	s0 =	rddreg [dreg:$0x0];
	s2 =	stileid.u32  }
0x60: {  	s1 =	rddreg [dreg:$0x1];
	p0 =	sne.s32 s2, $0x0  }
0x61: {  	s3 =	rddreg [dreg:$0x2];
	[bflag:$0x3] =	sbarrier.arrive $0xFFFF;
	s2 =	simm.s32 @!p0 $0x1C03  }
0x62: {  	[timem:s3], [sflag:s2] =	dma.local @!p0 [hbm:s0], s1  }
0x63: {  	s0 =	simm.s32 @!p0 $0x3  }
0x64: {  	_ =	swait.ge @!p0 [sflag:s0], s1  }
0x65: {  	s1 =	ssub.s32 @!p0 $0x0, s1;
	[sflag:s0] =	ssyncset.done @!p0 $0x0  }
0x66: {  	[sflag:s0] =	ssyncadd.s32 @!p0 s1  }
0x67: {  	[bflag:$0x3] =	sbarrier.arrive $0xFFFF  }
0x68: {  	_ =	shalt  }

// kernel: kernel.15.cloned.1.call-start
scs
__scs_entry_jumppad:
0x0: {  	(pc) =	sbr.rel $0x88, $3  }
0x1: {  	(tag) =	ssettag $0x0;
	lr =	simm.s32 $0x1  }
0x2: {  	[smem:$0x3F9F] =	sst lr;
	_ =	strace $0xD0000000  }
0x3: {  	_ = 	snop  }
0x4: {  	_ = 	snop  }
0x5: {  	_ = 	snop  }
0x6: {  	_ = 	snop  }
0x7: {  	_ = 	snop  }
__scs_overlays_trampoline_lowered:
0x8: {  	[smem:$0x3FAE] =	sst s0  }
0x9: {  	[smem:$0x3FAF] =	sst s1  }
0xa: {  	[smem:$0x3FB0] =	sst s2  }
0xb: {  	[smem:$0x3FB1] =	sst s3  }
0xc: {  	[smem:$0x3FB2] =	sst s4  }
0xd: {  	[smem:$0x3FB3] =	sst s5  }
0xe: {  	[smem:$0x3FB4] =	sst s6  }
0xf: {  	[smem:$0x3FB5] =	sst s7  }
0x10: {  	[smem:$0x3FB6] =	sst s8  }
0x11: {  	[smem:$0x3FB7] =	sst s9;
	s0 =	simm.s32 @!p0 $0x0  }
0x12: {  	s1 =	sld [smem:$0x3F9D];
	s0 =	simm.s32 @p0 $0x1  }
0x13: {  	[smem:$0x3FB8] =	sst s0;
	s0 =	simm.s32 @!p1 $0x0  }
0x14: {  	s2 =	sld [smem:$0x3F9C];
	s0 =	simm.s32 @p1 $0x1  }
0x15: {  	[smem:$0x3FB9] =	sst s0;
	s0 =	simm.s32 @!p2 $0x0  }
0x16: {  	s3 =	sld [smem:$0x3FDB];
	s0 =	simm.s32 @p2 $0x1  }
0x17: {  	s4 =	simm.s32 $0x1BF5;
	[smem:$0x3FBB] =	sst s0  }
0x18: {  	s0 =	sld [smem:$0x3F9E];
	_ =	swait.ge [sflag:s4], $0x0  }
0x19: {  	s7 =	sld [smem:$0x3F9F]  }
0x1a: {  	s8 =	sadd.s32 $0xFFFFE003, lr  }
0x1b: {  	s9 =	sadd.s32 $0xFFFFFEF7, lr;
	s5 =	simm.s32 $0xFFFFFFFF;
	p2 =	slt.u32 s8, $0xFFFFF086  }
0x1c: {  	p1 =	slt.u32 s9, $0xF7A;
	s5 =	simm.s32 @!p2 $0x0  }
0x1d: {  	s5 =	simm.s32 @p1 $0x1;
	p0 =	seq.s32 s7, s2  }
0x1e: {  	s7 =	smul.u32 @!p0 $0xF7A, s2;
	p2 =	seq.s32 @!p0 s5, $0x0  }
0x1f: {  	s9 =	smul.u32 $0xF7A, s1;
	s8 =	simm.s32 @!p0 $0x1BF5;
	p2 =	por !p2, p0  }
0x20: {  	[sflag:s8] =	ssyncset.s32 @!p0 $0xFFFFF086;
	s6 =	sadd.s32 @!p0 s3, s7;
	s7 =	simm.s32 @!p0 $0x108  }
0x21: {  	s3 =	sadd.s32 s3, s9;
	s6 =	sadd.s32 @!p0 $0x88, s6;
	s7 =	simm.s32 @p2 $0x1082  }
0x22: {  	[simem:s7], [sflag:s8] =	dma.local @!p0 [hbm:s6], $0xF7A  }
0x23: {  	s9 =	sor.u32 $0xD0000000, s2;
	s6 =	simm.s32 $0x108;
	_ =	swait.ge @!p0 [sflag:s8], $0x0  }
0x24: {  	s3 =	sadd.s32 $0x88, s3;
	s6 =	simm.s32 @!p1 $0x1082;
	[sflag:s4] =	ssyncset.s32 $0xFFFFF086  }
0x25: {  	[simem:s6], [sflag:s4] =	dma.local [hbm:s3], $0xF7A  }
0x26: {  	[smem:$0x3F9F] =	sst s1;
	(tag) =	ssettag s2;
	_ =	strace s9  }
0x27: {  	s1 =	sld [smem:$0x3FAF]  }
0x28: {  	s2 =	sld [smem:$0x3FB0]  }
0x29: {  	s4 =	sld [smem:$0x3FB2]  }
0x2a: {  	p0 =	seq.s32 s5, $0x0;
	s5 =	sld [smem:$0x3FB3]  }
0x2b: {  	s6 =	sld [smem:$0x3FB4]  }
0x2c: {  	s7 =	sld [smem:$0x3FB5]  }
0x2d: {  	s3 =	simm.s32 $0x108;
	s8 =	sld [smem:$0x3FB6]  }
0x2e: {  	s3 =	simm.s32 @!p0 $0x1082;
	s9 =	sld [smem:$0x3FB7]  }
0x2f: {  	lr =	sadd.s32 s0, s3;
	s0 =	sld [smem:$0x3FAE]  }
0x30: {  	s3 =	sld [smem:$0x3FB1]  }
0x31: {  	[smem:$0x3FBA] =	sst s10  }
0x32: {  	s10 =	sld [smem:$0x3FB8];
	_ =	sdelay $0x3  }
0x33: {  	p0 =	seq.s32 s10, $0x1;
	s10 =	sld [smem:$0x3FBA];
	_ =	sdelay $0x3  }
0x34: {  	[smem:$0x3FBA] =	sst s10  }
0x35: {  	s10 =	sld [smem:$0x3FB9];
	_ =	sdelay $0x3  }
0x36: {  	p1 =	seq.s32 s10, $0x1;
	s10 =	sld [smem:$0x3FBA];
	_ =	sdelay $0x3  }
0x37: {  	[smem:$0x3FBA] =	sst s10  }
0x38: {  	s10 =	sld [smem:$0x3FBB]  }
0x39: {  	_ = 	snop;
	(pc) =	sbr.ind lr, $3  }
0x3a: {  	_ = 	snop  }
0x3b: {  	_ = 	snop  }
0x3c: {  	p2 =	seq.s32 s10, $0x1;
	s10 =	sld [smem:$0x3FBA]  }
0x3d: {  	_ =	shalt  }
0x3e: {  	_ =	shalt  }
0x3f: {  	_ =	shalt  }
0x40: {  	_ =	shalt  }
0x41: {  	_ =	shalt  }
0x42: {  	_ =	shalt  }
0x43: {  	_ =	shalt  }
0x44: {  	_ =	shalt  }
0x45: {  	_ =	shalt  }
0x46: {  	_ =	shalt  }
0x47: {  	_ =	shalt  }
0x48: {  	_ =	shalt  }
0x49: {  	_ =	shalt  }
0x4a: {  	_ =	shalt  }
0x4b: {  	_ =	shalt  }
0x4c: {  	_ =	shalt  }
0x4d: {  	_ =	shalt  }
0x4e: {  	_ =	shalt  }
0x4f: {  	_ =	shalt  }
0x50: {  	_ =	shalt  }
0x51: {  	_ =	shalt  }
0x52: {  	_ =	shalt  }
0x53: {  	_ =	shalt  }
0x54: {  	_ =	shalt  }
0x55: {  	_ =	shalt  }
0x56: {  	_ =	shalt  }
0x57: {  	_ =	shalt  }
0x58: {  	_ =	shalt  }
0x59: {  	_ =	shalt  }
0x5a: {  	_ =	shalt  }
0x5b: {  	_ =	shalt  }
0x5c: {  	_ =	shalt  }
0x5d: {  	_ =	shalt  }
0x5e: {  	_ =	shalt  }
0x5f: {  	_ =	shalt  }
0x60: {  	_ =	shalt  }
0x61: {  	_ =	shalt  }
0x62: {  	_ =	shalt  }
0x63: {  	_ =	shalt  }
0x64: {  	_ =	shalt  }
0x65: {  	_ =	shalt  }
0x66: {  	_ =	shalt  }
0x67: {  	_ =	shalt  }
0x68: {  	_ =	shalt  }
0x69: {  	_ =	shalt  }
0x6a: {  	_ =	shalt  }
0x6b: {  	_ =	shalt  }
0x6c: {  	_ =	shalt  }
0x6d: {  	_ =	shalt  }
0x6e: {  	_ =	shalt  }
0x6f: {  	_ =	shalt  }
0x70: {  	_ =	shalt  }
0x71: {  	_ =	shalt  }
0x72: {  	_ =	shalt  }
0x73: {  	_ =	shalt  }
0x74: {  	_ =	shalt  }
0x75: {  	_ =	shalt  }
0x76: {  	_ =	shalt  }
0x77: {  	_ =	shalt  }
0x78: {  	_ =	shalt  }
0x79: {  	_ =	shalt  }
0x7a: {  	_ =	shalt  }
0x7b: {  	_ =	shalt  }
0x7c: {  	_ =	shalt  }
0x7d: {  	_ =	shalt  }
0x7e: {  	_ =	shalt  }
0x7f: {  	_ =	shalt  }
0x80: {  	_ =	shalt  }
0x81: {  	_ =	shalt  }
0x82: {  	_ =	shalt  }
0x83: {  	_ =	shalt  }
0x84: {  	_ =	shalt  }
0x85: {  	_ =	shalt  }
0x86: {  	_ =	shalt  }
0x87: {  	_ =	shalt  }
.Lfunc_end0:
.L_simem_size_0:
called_computation.3_lowered:
.L_overlay_start_0:
0x88: {  	s2 =	sld [smem:$0x3FD9]  }
0x89: {  	s3 =	sld [smem:$0x3FFE];
	_ =	sdelay $0x1  }
0x8a: {  	s1 =	srdreg.scid  }
0x8b: {  	s0 =	sand.u32 $0x1, s1  }
0x8c: {  	s17 =	sshll.u32 s0, $0xA;
	s2 =	sadd.s32 s3, s2  }
0x8d: {  	s2 =	sadd.s32 s2, s17  }
0x8e: {  	[smem:$0x3FC6] =	sst s2  }
0x8f: {  	_ = 	snop  }
0x90: {  	s2 =	sld [smem:$0x3FD0];
	(tm) =	ssettm $0x1  }
0x91: {  	s18 =	sld [smem:$0x3FFB];
	_ =	sdelay $0x3  }
0x92: {  	_ =	strace s18  }
0x93: {  	s3 =	sld [smem:$0x3FFC];
	_ =	sdelay $0x3  }
0x94: {  	_ =	strace s3  }
0x95: {  	s3 =	sld [smem:$0x3FFD];
	_ =	sdelay $0x3  }
0x96: {  	_ =	strace s3  }
0x97: {  	_ =	strace $0x8FFFFFFF  }
0x98: {  	s19 =	sld [smem:$0x3FDB];
	_ =	sdelay $0x1  }
0x99: {  	s4 =	simm.s32 $_scs_section_size  }
0x9a: {  	s5 =	simm.s32 $_size__tile_overlayer_lowered;
	s6 =	simm.s32 $_tile_overlayer_lowered  }
0x9b: {  	s22 =	simm.s32 $0x1BFF;
	s21 =	sshll.u32 s6, $0x1;
	s3 =	sadd.s32 s4, s19  }
0x9c: {  	s7 =	simm.s32 $0x0;
	s20 =	sshll.u32 s5, $0x1;
	s5 =	sadd.s32 s21, s3  }
0x9d: {  	[timem:s7], [sflag:s22] =	dma.local [hbm:s5], s20  }
0x9e: {  	_ =	swait.ge [sflag:s22], s20  }
0x9f: {  	s4 =	ssub.s32 $0x0, s20;
	[sflag:s22] =	ssyncset.done $0x0  }
0xa0: {  	[sflag:s22] =	ssyncadd.s32 s4;
	_ =	sdelay $0x1  }
0xa1: {  	s23 =	simm.s32 $0x1B8B  }
0xa2: {  	_ =	swait.ge [sflag:s23], $0x1  }
0xa3: {  	[sflag:s23] =	ssyncset.done $0x0  }
0xa4: {  	s25 =	simm.s32 $0x1B8E;
	s24 =	sld [smem:$0x3FFE];
	[sflag:s23] =	ssyncadd.s32 $0xFFFFFFFF  }
0xa5: {  	s26 =	simm.s32 $execute0_lowered;
	[smem:$0x3FD2] =	sst s25  }
0xa6: {  	s5 =	sshll.u32 s26, $0x1;
	_ =	strace $0x8000004F;
	[dreg:$0x1] =	wrdreg $0xFFFFFFFF  }
0xa7: {  	s28 =	simm.s32 $_size_execute0_lowered;
	s3 =	sadd.s32 s3, s5;
	[dreg:$0x0] =	wrdreg $0x0  }
0xa8: {  	s5 =	sshll.u32 s28, $0x1;
	[dreg:$0x2] =	wrdreg s3  }
0xa9: {  	[dreg:$0x3] =	wrdreg s5  }
0xaa: {  	[dreg:$0x4] =	wrdreg $0xC0  }
0xab: {  	_ =	task [dreg:s7], $0x5FFFF  }
0xac: {  	[dreg:$0x1] =	wrdreg $0xFFFFFFFF  }
0xad: {  	[dreg:$0x0] =	wrdreg $0x60  }
0xae: {  	[dreg:$0x2] =	wrdreg s24  }
0xaf: {  	[dreg:$0x3] =	wrdreg s2  }
0xb0: {  	[dreg:$0x4] =	wrdreg $0x0  }
0xb1: {  	[dreg:$0x5] =	wrdreg $0x9  }
0xb2: {  	_ =	task.clear_ibuf [dreg:s7], $0x6FFFF;
	_ =	strace $0x9000004F  }
0xb3: {  	s29 =	simm.s32 $0x9;
	_ =	strace $0x80000051  }
0xb4: {  	_ =	swait.ge [sflag:s29], $0x1  }
0xb5: {  	[sflag:s29] =	ssyncadd.s32 $0xFFFFFFFF  }
0xb6: {  	_ =	strace $0x90000051  }
0xb7: {  	_ =	sfence  }
0xb8: {  	s30 =	sld [smem:$0x0];
	_ =	sdelay $0x2  }
0xb9: {  	s31 =	sshll.u32 s1, $0xD;
	s1 =	sshrl.u32 s1, $0x2  }
0xba: {  	s3 =	sand.u32 $0x4000, s31;
	s1 =	sadd.s32 s1, s30  }
0xbb: {  	s0 =	sor.u32 s3, s0;
	s1 =	sshll.u32 s1, $0x11  }
0xbc: {  	s0 =	sor.u32 s1, s0  }
0xbd: {  	s0 =	sadd.s32 $0x8F2B, s0  }
0xbe: {  	[sflag:s0] =	ssyncadd.remote.s32 $0x1  }
0xbf: {  	_ =	sfence.sel $0xFFFF  }
0xc0: {  	[dreg:$0x0] =	wrdreg $0xFFFFFFFF;
	(pc) =	sbr.abs _section_cstart, $3  }
0xc1: {  	[dreg:$0x1] =	wrdreg $0xFFFFFFFF  }
0xc2: {  	_ =	task.clear_ibuf [dreg:s7], $0x2FFFF;
	_ =	strace $0x9FFFFFFF  }
0xc3: {  	(tm) =	ssettm $0x7FFFFFFF  }
tec
execute0_lowered:
.L_overlay_start_1:
0x0: {  	(tag) =	ssettag $0x1  }
0x1: {  	s5 =	rddreg [dreg:$0x0]  }
0x2: {  	s8 =	rddreg [dreg:$0x1]  }
0x3: {  	s1 =	rddreg [dreg:$0x2]  }
0x4: {  	s0 =	rddreg [dreg:$0x3];
	s3 =	simm.s32 $0x0  }
0x5: {  	s2 =	stileid.u32;
	s7 =	srdreg.scid;
	s16 =	simm.s32 $0xA040  }
0x6: {  	s17 =	simm.s32 $0xC840;
	s18 =	simm.s32 $0x1;
	s19 =	simm.s32 $0x2  }
0x7: {  	s20 =	simm.s32 $0x0;
	[smem:$0x7FF] =	sst s3;
	s4 =	sadd.s32 $0x1A00, s5  }
0x8: {  	s6 =	sshll.u32 s2, $0xC;
	s26 =	sand.u32 $0x1, s7;
	s10 =	smul.u32 $0x1400, s2  }
0x9: {  	s13 =	smul.u32 $0x28000, s2;
	s31 =	sshll.u32 s2, $0x6;
	_ =	strace $0x80000050  }
0xa: {  	s9 =	sadd.s32 s6, s5;
	s7 =	ssub.s32 $0x2, s26;
	s11 =	sshll.u32 s26, $0x10  }
0xb: {  	s12 =	smul.u32 $0x14000, s26;
	s5 =	sadd.s32 $0x59A00, s5;
	s28 =	sshrl.u32 s7, $0x1  }
0xc: {  	s11 =	sadd.s32 s11, s9;
	s30 =	sshrl.u32 s13, $0x2;
	s13 =	sor.u32 $0x1C03, s31  }
0xd: {  	s14 =	ssub.s32 s7, s28;
	s6 =	sadd.s32 $0x39A00, s11;
	s7 =	sadd.s32 $0x29A00, s9  }
0xe: {  	s29 =	sadd.s32 s10, s12;
	s15 =	sadd.s32 s30, s1;
	s10 =	simm.s32 $0xF040  }
0xf: {  	s11 =	simm.s32 $0x3;
	s12 =	simm.s32 $0x17040;
	s8 =	sadd.s32 s8, s29  }
0x10: {  	s9 =	smax.u32 s14, $0x1;
	s14 =	sshrl.u32 s15, $0x3;
	s15 =	simm.s32 $0x50  }
.LBB2_1:
0x11: {  	[tilespmem:s10], [sflag:$0x3] =	stream.linear.gather [hbm4b:s6+s3], $0x7D00, $0x38;
	[tilespmem:$0x1F040] =	vst v63  }
0x12: {  	_ =	swait.ge [sflag:s11], $0x7D00  }
0x13: {  	[sflag:s11] =	ssyncset.done $0x0  }
0x14: {  	[sflag:s11] =	ssyncadd.s32 $0xFFFF8300  }
0x15: {  	[tilespmem:s12], [sflag:$0x3] =	stream.linear.gather [hbm4b:s7+s3], $0x7E00, $0x38;
	[tilespmem:$0x1F040] =	vst v63  }
0x16: {  	_ =	swait.ge [sflag:s11], $0x7E00  }
0x17: {  	[sflag:s11] =	ssyncset.done $0x0  }
0x18: {  	[sflag:s11] =	ssyncadd.s32 $0xFFFF8200  }
0x19: {  	[spmem:s14], [sflag:s13] =	dma.local [hbm:s5], $0x1400  }
0x1a: {  	_ =	swait.ge [sflag:s11], $0x1400  }
0x1b: {  	[sflag:s11] =	ssyncset.done $0x0  }
0x1c: {  	[sflag:s11] =	ssyncadd.s32 $0xFFFFEC00  }
0x1d: {  	[bflag:$0x0] =	sbarrier.arrive $0xFFFF  }
0x1e: {  	[tilespmem:s16], [sflag:$0x1] =	stream.indirect.gather [hbm4b:s4+s15], $0x80, s12, s15, $0xb8;
	[tilespmem:$0x1F040] =	vst v63  }
0x1f: {  	s21 =	simm.s32 $0x170C0  }
0x20: {  	[tilespmem:s17], [sflag:$0x2] =	stream.indirect.gather [hbm4b:s4+s15], $0x80, s21, s15, $0xb8;
	[tilespmem:$0x1F040] =	vst v63  }
0x21: {  	_ =	swait.ge [sflag:s18], $0x2800  }
0x22: {  	[sflag:s18] =	ssyncset.done $0x0  }
0x23: {  	s29 =	simm.s32 $0xF040;
	[sflag:s18] =	ssyncadd.s32 $0xFFFFD800  }
0x24: {  	[spmem:s1] =	stream.indirect.scatter.add.f32 [tilespmem:s16], [sflag:$0x3], $0x80, s29, s15, $0xb8;
	[tilespmem:$0x1F040] =	vst v63  }
0x25: {  	_ =	swait.ge [sflag:s11], $0x2800  }
0x26: {  	[sflag:s11] =	ssyncset.done $0x0  }
0x27: {  	s30 =	simm.s32 $0x17140;
	[sflag:s11] =	ssyncadd.s32 $0xFFFFD800  }
0x28: {  	[tilespmem:s16], [sflag:$0x1] =	stream.indirect.gather [hbm4b:s4+s15], $0x80, s30, s15, $0xb8;
	[tilespmem:$0x1F040] =	vst v63  }
0x29: {  	_ =	swait.ge [sflag:s19], $0x2800  }
0x2a: {  	[sflag:s19] =	ssyncset.done $0x0  }
0x2b: {  	s31 =	simm.s32 $0xF0C0;
	[sflag:s19] =	ssyncadd.s32 $0xFFFFD800  }
0x2c: {  	[spmem:s1] =	stream.indirect.scatter.add.f32 [tilespmem:s17], [sflag:$0x3], $0x80, s31, s15, $0xb8;
	[tilespmem:$0x1F040] =	vst v63  }
0x2d: {  	_ =	swait.ge [sflag:s11], $0x2800  }
0x2e: {  	s22 =	simm.s32 $0x800;
	s21 =	simm.s32 $0x100;
	[sflag:s11] =	ssyncset.done $0x0  }
.LBB2_2:
0x2f: {  	s23 =	sadd.s32 $0x170C0, s21  }
0x30: {  	[sflag:s11] =	ssyncadd.s32 $0xFFFFD800;
	s24 =	smov.u32 s22;
	s25 =	sadd.s32 $0x400, s22  }
0x31: {  	[tilespmem:s17], [sflag:$0x2] =	stream.indirect.gather [hbm4b:s4+s15], $0x80, s23, s15, $0xb8;
	[tilespmem:$0x1F040] =	vst v63  }
0x32: {  	p0 =	sne.s32 s22, $0x1F000;
	_ =	swait.ge [sflag:s18], $0x2800  }
0x33: {  	[sflag:s18] =	ssyncset.done $0x0  }
0x34: {  	s22 =	sadd.s32 $0xF040, s21;
	[sflag:s18] =	ssyncadd.s32 $0xFFFFD800  }
0x35: {  	[spmem:s1] =	stream.indirect.scatter.add.f32 [tilespmem:s16], [sflag:$0x3], $0x80, s22, s15, $0xb8;
	[tilespmem:$0x1F040] =	vst v63  }
0x36: {  	_ =	swait.ge [sflag:s11], $0x2800  }
0x37: {  	[sflag:s11] =	ssyncset.done $0x0  }
0x38: {  	s22 =	sadd.s32 $0x17140, s21;
	[sflag:s11] =	ssyncadd.s32 $0xFFFFD800  }
0x39: {  	[tilespmem:s16], [sflag:$0x1] =	stream.indirect.gather [hbm4b:s4+s15], $0x80, s22, s15, $0xb8;
	[tilespmem:$0x1F040] =	vst v63  }
0x3a: {  	_ =	swait.ge [sflag:s19], $0x2800  }
.Ltmp0:
0x3b: {  	[sflag:s19] =	ssyncset.done $0x0;
	(pc) =	sbr.rel @p0 .LBB2_2-.Ltmp0, $4  }
0x3c: {  	s21 =	sadd.s32 $0xF0C0, s21;
	[sflag:s19] =	ssyncadd.s32 $0xFFFFD800  }
0x3d: {  	[spmem:s1] =	stream.indirect.scatter.add.f32 [tilespmem:s17], [sflag:$0x3], $0x80, s21, s15, $0xb8;
	[tilespmem:$0x1F040] =	vst v63  }
0x3e: {  	_ =	swait.ge [sflag:s11], $0x2800  }
0x3f: {  	s22 =	smov.u32 s25;
	s21 =	sshra.s32 s24, $0x2;
	[sflag:s11] =	ssyncset.done $0x0  }
0x40: {  	s22 =	sadd.s32 $0x170C0, s21;
	[sflag:s11] =	ssyncadd.s32 $0xFFFFD800  }
0x41: {  	[tilespmem:s17], [sflag:$0x2] =	stream.indirect.gather [hbm4b:s4+s15], $0x80, s22, s15, $0xb8;
	[tilespmem:$0x1F040] =	vst v63  }
0x42: {  	_ =	swait.ge [sflag:s18], $0x2800  }
0x43: {  	[sflag:s18] =	ssyncset.done $0x0  }
0x44: {  	s29 =	sadd.s32 $0xF040, s21;
	[sflag:s18] =	ssyncadd.s32 $0xFFFFD800  }
0x45: {  	[spmem:s1] =	stream.indirect.scatter.add.f32 [tilespmem:s16], [sflag:$0x3], $0x80, s29, s15, $0xb8;
	[tilespmem:$0x1F040] =	vst v63  }
0x46: {  	_ =	swait.ge [sflag:s11], $0x2800  }
0x47: {  	[sflag:s11] =	ssyncset.done $0x0  }
0x48: {  	s30 =	sadd.s32 $0x17140, s21;
	[sflag:s11] =	ssyncadd.s32 $0xFFFFD800  }
0x49: {  	[tilespmem:s16], [sflag:$0x1] =	stream.indirect.gather [hbm4b:s4+s15], $0x80, s30, s15, $0xb8;
	[tilespmem:$0x1F040] =	vst v63  }
0x4a: {  	_ =	swait.ge [sflag:s19], $0x2800  }
0x4b: {  	[sflag:s19] =	ssyncset.done $0x0  }
0x4c: {  	s31 =	sadd.s32 $0xF0C0, s21;
	[sflag:s19] =	ssyncadd.s32 $0xFFFFD800  }
0x4d: {  	[spmem:s1] =	stream.indirect.scatter.add.f32 [tilespmem:s17], [sflag:$0x3], $0x80, s31, s15, $0xb8;
	[tilespmem:$0x1F040] =	vst v63  }
0x4e: {  	_ =	swait.ge [sflag:s11], $0x2800  }
0x4f: {  	[sflag:s11] =	ssyncset.done $0x0  }
0x50: {  	[sflag:s11] =	ssyncadd.s32 $0xFFFFD800  }
0x51: {  	_ =	swait.ge [sflag:s18], $0x2800  }
0x52: {  	s20 =	sadd.s32 $0x1, s20;
	[sflag:s18] =	ssyncset.done $0x0  }
0x53: {  	p0 =	sne.s32 s20, s9;
	[sflag:s18] =	ssyncadd.s32 $0xFFFFD800  }
.Ltmp1:
0x54: {  	[bflag:$0x0] =	sbarrier.arrive $0xFFFF;
	(pc) =	sbr.rel @p0 .LBB2_1-.Ltmp1, $4  }
0x55: {  	[hbm:s8], [sflag:s13] =	dma.local [spmem:s14], $0x1400  }
0x56: {  	_ =	swait.ge [sflag:s11], $0x1400  }
0x57: {  	[sflag:s11] =	ssyncset.done $0x0  }
0x58: {  	[sflag:s11] =	ssyncadd.s32 $0xFFFFEC00  }
0x59: {  	_ =	sfence.sel $0x180000  }
0x5a: {  	[bflag:$0x0] =	sbarrier.arrive $0xFFFF  }
0x5b: {  	p0 =	sne.s32 s2, $0x0;
	_ =	strace $0x90000050  }
0x5c: {  	s0 =	sadd.s32 @!p0 $0x100000, s0;
	[bflag:$0x2] =	sbarrier.arrive $0xFFFF  }
0x5d: {  	[sflag:s0] =	ssyncadd.tile.s32 @!p0 $0x1;
	_ =	shalt  }
.Lfunc_end2:
_tile_overlayer_lowered:
.L_overlay_start_2:
0x5e: {  	(tag) =	ssettag $0x2  }
0x5f: {  	s0 =	rddreg [dreg:$0x0];
	s2 =	stileid.u32  }
0x60: {  	s1 =	rddreg [dreg:$0x1];
	p0 =	sne.s32 s2, $0x0  }
0x61: {  	s3 =	rddreg [dreg:$0x2];
	[bflag:$0x3] =	sbarrier.arrive $0xFFFF;
	s2 =	simm.s32 @!p0 $0x1C03  }
0x62: {  	[timem:s3], [sflag:s2] =	dma.local @!p0 [hbm:s0], s1  }
0x63: {  	s0 =	simm.s32 @!p0 $0x3  }
0x64: {  	_ =	swait.ge @!p0 [sflag:s0], s1  }
0x65: {  	s1 =	ssub.s32 @!p0 $0x0, s1;
	[sflag:s0] =	ssyncset.done @!p0 $0x0  }
0x66: {  	[sflag:s0] =	ssyncadd.s32 @!p0 s1  }
0x67: {  	[bflag:$0x3] =	sbarrier.arrive $0xFFFF  }
0x68: {  	_ =	shalt  }

// kernel: kernel.6.cloned.1.call-start
scs
__scs_entry_jumppad:
0x0: {  	(pc) =	sbr.rel $0x88, $3  }
0x1: {  	(tag) =	ssettag $0x0;
	lr =	simm.s32 $0x1  }
0x2: {  	[smem:$0x3F9F] =	sst lr;
	_ =	strace $0xD0000000  }
0x3: {  	_ = 	snop  }
0x4: {  	_ = 	snop  }
0x5: {  	_ = 	snop  }
0x6: {  	_ = 	snop  }
0x7: {  	_ = 	snop  }
__scs_overlays_trampoline_lowered:
0x8: {  	[smem:$0x3FAE] =	sst s0  }
0x9: {  	[smem:$0x3FAF] =	sst s1  }
0xa: {  	[smem:$0x3FB0] =	sst s2  }
0xb: {  	[smem:$0x3FB1] =	sst s3  }
0xc: {  	[smem:$0x3FB2] =	sst s4  }
0xd: {  	[smem:$0x3FB3] =	sst s5  }
0xe: {  	[smem:$0x3FB4] =	sst s6  }
0xf: {  	[smem:$0x3FB5] =	sst s7  }
0x10: {  	[smem:$0x3FB6] =	sst s8  }
0x11: {  	[smem:$0x3FB7] =	sst s9;
	s0 =	simm.s32 @!p0 $0x0  }
0x12: {  	s1 =	sld [smem:$0x3F9D];
	s0 =	simm.s32 @p0 $0x1  }
0x13: {  	[smem:$0x3FB8] =	sst s0;
	s0 =	simm.s32 @!p1 $0x0  }
0x14: {  	s2 =	sld [smem:$0x3F9C];
	s0 =	simm.s32 @p1 $0x1  }
0x15: {  	[smem:$0x3FB9] =	sst s0;
	s0 =	simm.s32 @!p2 $0x0  }
0x16: {  	s3 =	sld [smem:$0x3FDB];
	s0 =	simm.s32 @p2 $0x1  }
0x17: {  	s4 =	simm.s32 $0x1BF5;
	[smem:$0x3FBB] =	sst s0  }
0x18: {  	s0 =	sld [smem:$0x3F9E];
	_ =	swait.ge [sflag:s4], $0x0  }
0x19: {  	s7 =	sld [smem:$0x3F9F]  }
0x1a: {  	s8 =	sadd.s32 $0xFFFFE003, lr  }
0x1b: {  	s9 =	sadd.s32 $0xFFFFFEF7, lr;
	s5 =	simm.s32 $0xFFFFFFFF;
	p2 =	slt.u32 s8, $0xFFFFF086  }
0x1c: {  	p1 =	slt.u32 s9, $0xF7A;
	s5 =	simm.s32 @!p2 $0x0  }
0x1d: {  	s5 =	simm.s32 @p1 $0x1;
	p0 =	seq.s32 s7, s2  }
0x1e: {  	s7 =	smul.u32 @!p0 $0xF7A, s2;
	p2 =	seq.s32 @!p0 s5, $0x0  }
0x1f: {  	s9 =	smul.u32 $0xF7A, s1;
	s8 =	simm.s32 @!p0 $0x1BF5;
	p2 =	por !p2, p0  }
0x20: {  	[sflag:s8] =	ssyncset.s32 @!p0 $0xFFFFF086;
	s6 =	sadd.s32 @!p0 s3, s7;
	s7 =	simm.s32 @!p0 $0x108  }
0x21: {  	s3 =	sadd.s32 s3, s9;
	s6 =	sadd.s32 @!p0 $0x88, s6;
	s7 =	simm.s32 @p2 $0x1082  }
0x22: {  	[simem:s7], [sflag:s8] =	dma.local @!p0 [hbm:s6], $0xF7A  }
0x23: {  	s9 =	sor.u32 $0xD0000000, s2;
	s6 =	simm.s32 $0x108;
	_ =	swait.ge @!p0 [sflag:s8], $0x0  }
0x24: {  	s3 =	sadd.s32 $0x88, s3;
	s6 =	simm.s32 @!p1 $0x1082;
	[sflag:s4] =	ssyncset.s32 $0xFFFFF086  }
0x25: {  	[simem:s6], [sflag:s4] =	dma.local [hbm:s3], $0xF7A  }
0x26: {  	[smem:$0x3F9F] =	sst s1;
	(tag) =	ssettag s2;
	_ =	strace s9  }
0x27: {  	s1 =	sld [smem:$0x3FAF]  }
0x28: {  	s2 =	sld [smem:$0x3FB0]  }
0x29: {  	s4 =	sld [smem:$0x3FB2]  }
0x2a: {  	p0 =	seq.s32 s5, $0x0;
	s5 =	sld [smem:$0x3FB3]  }
0x2b: {  	s6 =	sld [smem:$0x3FB4]  }
0x2c: {  	s7 =	sld [smem:$0x3FB5]  }
0x2d: {  	s3 =	simm.s32 $0x108;
	s8 =	sld [smem:$0x3FB6]  }
0x2e: {  	s3 =	simm.s32 @!p0 $0x1082;
	s9 =	sld [smem:$0x3FB7]  }
0x2f: {  	lr =	sadd.s32 s0, s3;
	s0 =	sld [smem:$0x3FAE]  }
0x30: {  	s3 =	sld [smem:$0x3FB1]  }
0x31: {  	[smem:$0x3FBA] =	sst s10  }
0x32: {  	s10 =	sld [smem:$0x3FB8];
	_ =	sdelay $0x3  }
0x33: {  	p0 =	seq.s32 s10, $0x1;
	s10 =	sld [smem:$0x3FBA];
	_ =	sdelay $0x3  }
0x34: {  	[smem:$0x3FBA] =	sst s10  }
0x35: {  	s10 =	sld [smem:$0x3FB9];
	_ =	sdelay $0x3  }
0x36: {  	p1 =	seq.s32 s10, $0x1;
	s10 =	sld [smem:$0x3FBA];
	_ =	sdelay $0x3  }
0x37: {  	[smem:$0x3FBA] =	sst s10  }
0x38: {  	s10 =	sld [smem:$0x3FBB]  }
0x39: {  	_ = 	snop;
	(pc) =	sbr.ind lr, $3  }
0x3a: {  	_ = 	snop  }
0x3b: {  	_ = 	snop  }
0x3c: {  	p2 =	seq.s32 s10, $0x1;
	s10 =	sld [smem:$0x3FBA]  }
0x3d: {  	_ =	shalt  }
0x3e: {  	_ =	shalt  }
0x3f: {  	_ =	shalt  }
0x40: {  	_ =	shalt  }
0x41: {  	_ =	shalt  }
0x42: {  	_ =	shalt  }
0x43: {  	_ =	shalt  }
0x44: {  	_ =	shalt  }
0x45: {  	_ =	shalt  }
0x46: {  	_ =	shalt  }
0x47: {  	_ =	shalt  }
0x48: {  	_ =	shalt  }
0x49: {  	_ =	shalt  }
0x4a: {  	_ =	shalt  }
0x4b: {  	_ =	shalt  }
0x4c: {  	_ =	shalt  }
0x4d: {  	_ =	shalt  }
0x4e: {  	_ =	shalt  }
0x4f: {  	_ =	shalt  }
0x50: {  	_ =	shalt  }
0x51: {  	_ =	shalt  }
0x52: {  	_ =	shalt  }
0x53: {  	_ =	shalt  }
0x54: {  	_ =	shalt  }
0x55: {  	_ =	shalt  }
0x56: {  	_ =	shalt  }
0x57: {  	_ =	shalt  }
0x58: {  	_ =	shalt  }
0x59: {  	_ =	shalt  }
0x5a: {  	_ =	shalt  }
0x5b: {  	_ =	shalt  }
0x5c: {  	_ =	shalt  }
0x5d: {  	_ =	shalt  }
0x5e: {  	_ =	shalt  }
0x5f: {  	_ =	shalt  }
0x60: {  	_ =	shalt  }
0x61: {  	_ =	shalt  }
0x62: {  	_ =	shalt  }
0x63: {  	_ =	shalt  }
0x64: {  	_ =	shalt  }
0x65: {  	_ =	shalt  }
0x66: {  	_ =	shalt  }
0x67: {  	_ =	shalt  }
0x68: {  	_ =	shalt  }
0x69: {  	_ =	shalt  }
0x6a: {  	_ =	shalt  }
0x6b: {  	_ =	shalt  }
0x6c: {  	_ =	shalt  }
0x6d: {  	_ =	shalt  }
0x6e: {  	_ =	shalt  }
0x6f: {  	_ =	shalt  }
0x70: {  	_ =	shalt  }
0x71: {  	_ =	shalt  }
0x72: {  	_ =	shalt  }
0x73: {  	_ =	shalt  }
0x74: {  	_ =	shalt  }
0x75: {  	_ =	shalt  }
0x76: {  	_ =	shalt  }
0x77: {  	_ =	shalt  }
0x78: {  	_ =	shalt  }
0x79: {  	_ =	shalt  }
0x7a: {  	_ =	shalt  }
0x7b: {  	_ =	shalt  }
0x7c: {  	_ =	shalt  }
0x7d: {  	_ =	shalt  }
0x7e: {  	_ =	shalt  }
0x7f: {  	_ =	shalt  }
0x80: {  	_ =	shalt  }
0x81: {  	_ =	shalt  }
0x82: {  	_ =	shalt  }
0x83: {  	_ =	shalt  }
0x84: {  	_ =	shalt  }
0x85: {  	_ =	shalt  }
0x86: {  	_ =	shalt  }
0x87: {  	_ =	shalt  }
.Lfunc_end0:
.L_simem_size_0:
called_computation_lowered:
.L_overlay_start_0:
0x88: {  	s2 =	sld [smem:$0x3FD9]  }
0x89: {  	s3 =	sld [smem:$0x3FFE];
	_ =	sdelay $0x1  }
0x8a: {  	s1 =	srdreg.scid  }
0x8b: {  	s0 =	sand.u32 $0x1, s1  }
0x8c: {  	s17 =	sshll.u32 s0, $0xA;
	s2 =	sadd.s32 s3, s2  }
0x8d: {  	s2 =	sadd.s32 s2, s17  }
0x8e: {  	[smem:$0x3FC6] =	sst s2  }
0x8f: {  	_ = 	snop  }
0x90: {  	s2 =	sld [smem:$0x3FD0];
	(tm) =	ssettm $0x1  }
0x91: {  	s18 =	sld [smem:$0x3FFB];
	_ =	sdelay $0x3  }
0x92: {  	_ =	strace s18  }
0x93: {  	s3 =	sld [smem:$0x3FFC];
	_ =	sdelay $0x3  }
0x94: {  	_ =	strace s3  }
0x95: {  	s3 =	sld [smem:$0x3FFD];
	_ =	sdelay $0x3  }
0x96: {  	_ =	strace s3  }
0x97: {  	_ =	strace $0x8FFFFFFF  }
0x98: {  	s19 =	sld [smem:$0x3FDB];
	_ =	sdelay $0x1  }
0x99: {  	s4 =	simm.s32 $_scs_section_size  }
0x9a: {  	s5 =	simm.s32 $_size__tile_overlayer_lowered;
	s6 =	simm.s32 $_tile_overlayer_lowered  }
0x9b: {  	s22 =	simm.s32 $0x1BFF;
	s21 =	sshll.u32 s6, $0x1;
	s3 =	sadd.s32 s4, s19  }
0x9c: {  	s7 =	simm.s32 $0x0;
	s20 =	sshll.u32 s5, $0x1;
	s5 =	sadd.s32 s21, s3  }
0x9d: {  	[timem:s7], [sflag:s22] =	dma.local [hbm:s5], s20  }
0x9e: {  	_ =	swait.ge [sflag:s22], s20  }
0x9f: {  	s4 =	ssub.s32 $0x0, s20;
	[sflag:s22] =	ssyncset.done $0x0  }
0xa0: {  	[sflag:s22] =	ssyncadd.s32 s4;
	_ =	sdelay $0x1  }
0xa1: {  	s23 =	simm.s32 $0x1B8B  }
0xa2: {  	_ =	swait.ge [sflag:s23], $0x1  }
0xa3: {  	[sflag:s23] =	ssyncset.done $0x0  }
0xa4: {  	s25 =	simm.s32 $0x1B8E;
	s24 =	sld [smem:$0x3FFE];
	[sflag:s23] =	ssyncadd.s32 $0xFFFFFFFF  }
0xa5: {  	s26 =	simm.s32 $execute0_lowered;
	[smem:$0x3FD2] =	sst s25  }
0xa6: {  	s5 =	sshll.u32 s26, $0x1;
	_ =	strace $0x80000046;
	[dreg:$0x1] =	wrdreg $0xFFFFFFFF  }
0xa7: {  	s28 =	simm.s32 $_size_execute0_lowered;
	s3 =	sadd.s32 s3, s5;
	[dreg:$0x0] =	wrdreg $0x0  }
0xa8: {  	s5 =	sshll.u32 s28, $0x1;
	[dreg:$0x2] =	wrdreg s3  }
0xa9: {  	[dreg:$0x3] =	wrdreg s5  }
0xaa: {  	[dreg:$0x4] =	wrdreg $0xC0  }
0xab: {  	_ =	task [dreg:s7], $0x5FFFF  }
0xac: {  	[dreg:$0x1] =	wrdreg $0xFFFFFFFF  }
0xad: {  	[dreg:$0x0] =	wrdreg $0x60  }
0xae: {  	[dreg:$0x2] =	wrdreg s2  }
0xaf: {  	[dreg:$0x3] =	wrdreg s24  }
0xb0: {  	[dreg:$0x4] =	wrdreg $0x9  }
0xb1: {  	_ =	task.clear_ibuf [dreg:s7], $0x5FFFF;
	_ =	strace $0x90000046  }
0xb2: {  	s29 =	simm.s32 $0x9;
	_ =	strace $0x80000048  }
0xb3: {  	_ =	swait.ge [sflag:s29], $0x1  }
0xb4: {  	[sflag:s29] =	ssyncadd.s32 $0xFFFFFFFF  }
0xb5: {  	_ =	strace $0x90000048  }
0xb6: {  	_ =	sfence  }
0xb7: {  	s30 =	sld [smem:$0x0];
	_ =	sdelay $0x2  }
0xb8: {  	s31 =	sshll.u32 s1, $0xD;
	s1 =	sshrl.u32 s1, $0x2  }
0xb9: {  	s3 =	sand.u32 $0x4000, s31;
	s1 =	sadd.s32 s1, s30  }
0xba: {  	s0 =	sor.u32 s3, s0;
	s1 =	sshll.u32 s1, $0x11  }
0xbb: {  	s0 =	sor.u32 s1, s0  }
0xbc: {  	s0 =	sadd.s32 $0x8F2B, s0  }
0xbd: {  	[sflag:s0] =	ssyncadd.remote.s32 $0x1  }
0xbe: {  	_ =	sfence.sel $0xFFFF  }
0xbf: {  	[dreg:$0x0] =	wrdreg $0xFFFFFFFF;
	(pc) =	sbr.abs _section_cstart, $3  }
0xc0: {  	[dreg:$0x1] =	wrdreg $0xFFFFFFFF  }
0xc1: {  	_ =	task.clear_ibuf [dreg:s7], $0x2FFFF;
	_ =	strace $0x9FFFFFFF  }
0xc2: {  	(tm) =	ssettm $0x7FFFFFFF  }
0xc3: {  	_ =	shalt  }
tec
execute0_lowered:
.L_overlay_start_1:
0x0: {  	(tag) =	ssettag $0x1  }
0x1: {  	s1 =	srdreg.scid;
	s0 =	stileid.u32  }
0x2: {  	s3 =	rddreg [dreg:$0x0];
	s4 =	sand.u32 $0x1, s1;
	s6 =	sshll.u32 s0, $0x1  }
0x3: {  	s5 =	rddreg [dreg:$0x1];
	s2 =	simm.s32 $0x0;
	s6 =	sor.u32 s4, s6  }
0x4: {  	s1 =	rddreg [dreg:$0x2];
	s7 =	ssub.s32 $0x2, s4;
	s6 =	smul.u32 $0x1400, s6  }
0x5: {  	[smem:$0x7FF] =	sst s2;
	s8 =	sshrl.u32 s7, $0x1  }
0x6: {  	_ =	strace $0x80000047;
	s31 =	ssub.s32 s7, s8;
	s4 =	sadd.s32 s3, s6  }
0x7: {  	s3 =	simm.s32 $0x1;
	s5 =	sadd.s32 s6, s5;
	s6 =	smax.u32 s31, $0x1  }
0x8: {  	[tilespmem:s2], [sflag:$0x1] =	stream.linear.gather [hbm4b:s4+s2], $0xA000, $0x38;
	[tilespmem:$0xA000] =	vst v63  }
0x9: {  	p0 =	sne.s32 s6, $0x1;
	_ =	swait.ge [sflag:s3], $0xA000  }
.Ltmp0:
0xa: {  	[sflag:s3] =	ssyncset.done $0x0;
	(pc) =	sbr.rel @!p0 .LBB2_2-.Ltmp0, $4  }
0xb: {  	s5 =	sadd.s32 $0x1A00, s5;
	[sflag:s3] =	ssyncadd.s32 $0xFFFF6000  }
0xc: {  	[hbm4b:s5+s2] =	stream.linear.scatter [tilespmem:s2], [sflag:$0x1], $0xA000, $0x38;
	[tilespmem:$0xA000] =	vst v63  }
0xd: {  	_ =	swait.ge [sflag:s3], $0xA000  }
0xe: {  	s6 =	sadd.s32 $0xFFFFFFFF, s6;
	[sflag:s3] =	ssyncset.done $0x0  }
.LBB2_1:
0xf: {  	p0 =	sne.s32 s6, $0x1;
	s6 =	sadd.s32 $0xFFFFFFFF, s6;
	[sflag:s3] =	ssyncadd.s32 $0xFFFF6000  }
0x10: {  	[tilespmem:s2], [sflag:$0x1] =	stream.linear.gather [hbm4b:s4+s2], $0xA000, $0x38;
	[tilespmem:$0xA000] =	vst v63  }
0x11: {  	_ =	swait.ge [sflag:s3], $0xA000  }
.Ltmp1:
0x12: {  	[sflag:s3] =	ssyncset.done $0x0;
	(pc) =	sbr.rel @p0 .LBB2_1-.Ltmp1, $4  }
0x13: {  	[sflag:s3] =	ssyncadd.s32 $0xFFFF6000  }
0x14: {  	[hbm4b:s5+s2] =	stream.linear.scatter [tilespmem:s2], [sflag:$0x1], $0xA000, $0x38;
	[tilespmem:$0xA000] =	vst v63  }
0x15: {  	_ =	swait.ge [sflag:s3], $0xA000  }
0x16: {  	[sflag:s3] =	ssyncset.done $0x0  }
.LBB2_2:
0x17: {  	[sflag:s3] =	ssyncadd.s32 $0xFFFF6000  }
0x18: {  	_ =	sfence.sel $0x180000  }
0x19: {  	[bflag:$0x0] =	sbarrier.arrive $0xFFFF  }
0x1a: {  	p0 =	sne.s32 s0, $0x0;
	_ =	strace $0x90000047  }
0x1b: {  	s0 =	sadd.s32 @!p0 $0x100000, s1;
	[bflag:$0x2] =	sbarrier.arrive $0xFFFF  }
0x1c: {  	[sflag:s0] =	ssyncadd.tile.s32 @!p0 $0x1;
	_ =	shalt  }
.Lfunc_end2:
_tile_overlayer_lowered:
.L_overlay_start_2:
0x1d: {  	(tag) =	ssettag $0x2  }
0x1e: {  	s0 =	rddreg [dreg:$0x0];
	s2 =	stileid.u32  }
0x1f: {  	s1 =	rddreg [dreg:$0x1];
	p0 =	sne.s32 s2, $0x0  }
0x20: {  	s3 =	rddreg [dreg:$0x2];
	[bflag:$0x3] =	sbarrier.arrive $0xFFFF;
	s2 =	simm.s32 @!p0 $0x1C01  }
0x21: {  	[timem:s3], [sflag:s2] =	dma.local @!p0 [hbm:s0], s1  }
0x22: {  	s0 =	simm.s32 @!p0 $0x1  }
0x23: {  	_ =	swait.ge @!p0 [sflag:s0], s1  }
0x24: {  	s1 =	ssub.s32 @!p0 $0x0, s1;
	[sflag:s0] =	ssyncset.done @!p0 $0x0  }
0x25: {  	[sflag:s0] =	ssyncadd.s32 @!p0 s1  }
0x26: {  	[bflag:$0x3] =	sbarrier.arrive $0xFFFF  }
0x27: {  	_ =	shalt  }

// kernel: kernel.9.cloned.1.call-start
scs
__scs_entry_jumppad:
0x0: {  	(pc) =	sbr.rel $0x88, $3  }
0x1: {  	(tag) =	ssettag $0x0;
	lr =	simm.s32 $0x1  }
0x2: {  	[smem:$0x3F9F] =	sst lr;
	_ =	strace $0xD0000000  }
0x3: {  	_ = 	snop  }
0x4: {  	_ = 	snop  }
0x5: {  	_ = 	snop  }
0x6: {  	_ = 	snop  }
0x7: {  	_ = 	snop  }
__scs_overlays_trampoline_lowered:
0x8: {  	[smem:$0x3FAE] =	sst s0  }
0x9: {  	[smem:$0x3FAF] =	sst s1  }
0xa: {  	[smem:$0x3FB0] =	sst s2  }
0xb: {  	[smem:$0x3FB1] =	sst s3  }
0xc: {  	[smem:$0x3FB2] =	sst s4  }
0xd: {  	[smem:$0x3FB3] =	sst s5  }
0xe: {  	[smem:$0x3FB4] =	sst s6  }
0xf: {  	[smem:$0x3FB5] =	sst s7  }
0x10: {  	[smem:$0x3FB6] =	sst s8  }
0x11: {  	[smem:$0x3FB7] =	sst s9;
	s0 =	simm.s32 @!p0 $0x0  }
0x12: {  	s1 =	sld [smem:$0x3F9D];
	s0 =	simm.s32 @p0 $0x1  }
0x13: {  	[smem:$0x3FB8] =	sst s0;
	s0 =	simm.s32 @!p1 $0x0  }
0x14: {  	s2 =	sld [smem:$0x3F9C];
	s0 =	simm.s32 @p1 $0x1  }
0x15: {  	[smem:$0x3FB9] =	sst s0;
	s0 =	simm.s32 @!p2 $0x0  }
0x16: {  	s3 =	sld [smem:$0x3FDB];
	s0 =	simm.s32 @p2 $0x1  }
0x17: {  	s4 =	simm.s32 $0x1BF5;
	[smem:$0x3FBB] =	sst s0  }
0x18: {  	s0 =	sld [smem:$0x3F9E];
	_ =	swait.ge [sflag:s4], $0x0  }
0x19: {  	s7 =	sld [smem:$0x3F9F]  }
0x1a: {  	s8 =	sadd.s32 $0xFFFFE003, lr  }
0x1b: {  	s9 =	sadd.s32 $0xFFFFFEF7, lr;
	s5 =	simm.s32 $0xFFFFFFFF;
	p2 =	slt.u32 s8, $0xFFFFF086  }
0x1c: {  	p1 =	slt.u32 s9, $0xF7A;
	s5 =	simm.s32 @!p2 $0x0  }
0x1d: {  	s5 =	simm.s32 @p1 $0x1;
	p0 =	seq.s32 s7, s2  }
0x1e: {  	s7 =	smul.u32 @!p0 $0xF7A, s2;
	p2 =	seq.s32 @!p0 s5, $0x0  }
0x1f: {  	s9 =	smul.u32 $0xF7A, s1;
	s8 =	simm.s32 @!p0 $0x1BF5;
	p2 =	por !p2, p0  }
0x20: {  	[sflag:s8] =	ssyncset.s32 @!p0 $0xFFFFF086;
	s6 =	sadd.s32 @!p0 s3, s7;
	s7 =	simm.s32 @!p0 $0x108  }
0x21: {  	s3 =	sadd.s32 s3, s9;
	s6 =	sadd.s32 @!p0 $0x88, s6;
	s7 =	simm.s32 @p2 $0x1082  }
0x22: {  	[simem:s7], [sflag:s8] =	dma.local @!p0 [hbm:s6], $0xF7A  }
0x23: {  	s9 =	sor.u32 $0xD0000000, s2;
	s6 =	simm.s32 $0x108;
	_ =	swait.ge @!p0 [sflag:s8], $0x0  }
0x24: {  	s3 =	sadd.s32 $0x88, s3;
	s6 =	simm.s32 @!p1 $0x1082;
	[sflag:s4] =	ssyncset.s32 $0xFFFFF086  }
0x25: {  	[simem:s6], [sflag:s4] =	dma.local [hbm:s3], $0xF7A  }
0x26: {  	[smem:$0x3F9F] =	sst s1;
	(tag) =	ssettag s2;
	_ =	strace s9  }
0x27: {  	s1 =	sld [smem:$0x3FAF]  }
0x28: {  	s2 =	sld [smem:$0x3FB0]  }
0x29: {  	s4 =	sld [smem:$0x3FB2]  }
0x2a: {  	p0 =	seq.s32 s5, $0x0;
	s5 =	sld [smem:$0x3FB3]  }
0x2b: {  	s6 =	sld [smem:$0x3FB4]  }
0x2c: {  	s7 =	sld [smem:$0x3FB5]  }
0x2d: {  	s3 =	simm.s32 $0x108;
	s8 =	sld [smem:$0x3FB6]  }
0x2e: {  	s3 =	simm.s32 @!p0 $0x1082;
	s9 =	sld [smem:$0x3FB7]  }
0x2f: {  	lr =	sadd.s32 s0, s3;
	s0 =	sld [smem:$0x3FAE]  }
0x30: {  	s3 =	sld [smem:$0x3FB1]  }
0x31: {  	[smem:$0x3FBA] =	sst s10  }
0x32: {  	s10 =	sld [smem:$0x3FB8];
	_ =	sdelay $0x3  }
0x33: {  	p0 =	seq.s32 s10, $0x1;
	s10 =	sld [smem:$0x3FBA];
	_ =	sdelay $0x3  }
0x34: {  	[smem:$0x3FBA] =	sst s10  }
0x35: {  	s10 =	sld [smem:$0x3FB9];
	_ =	sdelay $0x3  }
0x36: {  	p1 =	seq.s32 s10, $0x1;
	s10 =	sld [smem:$0x3FBA];
	_ =	sdelay $0x3  }
0x37: {  	[smem:$0x3FBA] =	sst s10  }
0x38: {  	s10 =	sld [smem:$0x3FBB]  }
0x39: {  	_ = 	snop;
	(pc) =	sbr.ind lr, $3  }
0x3a: {  	_ = 	snop  }
0x3b: {  	_ = 	snop  }
0x3c: {  	p2 =	seq.s32 s10, $0x1;
	s10 =	sld [smem:$0x3FBA]  }
0x3d: {  	_ =	shalt  }
0x3e: {  	_ =	shalt  }
0x3f: {  	_ =	shalt  }
0x40: {  	_ =	shalt  }
0x41: {  	_ =	shalt  }
0x42: {  	_ =	shalt  }
0x43: {  	_ =	shalt  }
0x44: {  	_ =	shalt  }
0x45: {  	_ =	shalt  }
0x46: {  	_ =	shalt  }
0x47: {  	_ =	shalt  }
0x48: {  	_ =	shalt  }
0x49: {  	_ =	shalt  }
0x4a: {  	_ =	shalt  }
0x4b: {  	_ =	shalt  }
0x4c: {  	_ =	shalt  }
0x4d: {  	_ =	shalt  }
0x4e: {  	_ =	shalt  }
0x4f: {  	_ =	shalt  }
0x50: {  	_ =	shalt  }
0x51: {  	_ =	shalt  }
0x52: {  	_ =	shalt  }
0x53: {  	_ =	shalt  }
0x54: {  	_ =	shalt  }
0x55: {  	_ =	shalt  }
0x56: {  	_ =	shalt  }
0x57: {  	_ =	shalt  }
0x58: {  	_ =	shalt  }
0x59: {  	_ =	shalt  }
0x5a: {  	_ =	shalt  }
0x5b: {  	_ =	shalt  }
0x5c: {  	_ =	shalt  }
0x5d: {  	_ =	shalt  }
0x5e: {  	_ =	shalt  }
0x5f: {  	_ =	shalt  }
0x60: {  	_ =	shalt  }
0x61: {  	_ =	shalt  }
0x62: {  	_ =	shalt  }
0x63: {  	_ =	shalt  }
0x64: {  	_ =	shalt  }
0x65: {  	_ =	shalt  }
0x66: {  	_ =	shalt  }
0x67: {  	_ =	shalt  }
0x68: {  	_ =	shalt  }
0x69: {  	_ =	shalt  }
0x6a: {  	_ =	shalt  }
0x6b: {  	_ =	shalt  }
0x6c: {  	_ =	shalt  }
0x6d: {  	_ =	shalt  }
0x6e: {  	_ =	shalt  }
0x6f: {  	_ =	shalt  }
0x70: {  	_ =	shalt  }
0x71: {  	_ =	shalt  }
0x72: {  	_ =	shalt  }
0x73: {  	_ =	shalt  }
0x74: {  	_ =	shalt  }
0x75: {  	_ =	shalt  }
0x76: {  	_ =	shalt  }
0x77: {  	_ =	shalt  }
0x78: {  	_ =	shalt  }
0x79: {  	_ =	shalt  }
0x7a: {  	_ =	shalt  }
0x7b: {  	_ =	shalt  }
0x7c: {  	_ =	shalt  }
0x7d: {  	_ =	shalt  }
0x7e: {  	_ =	shalt  }
0x7f: {  	_ =	shalt  }
0x80: {  	_ =	shalt  }
0x81: {  	_ =	shalt  }
0x82: {  	_ =	shalt  }
0x83: {  	_ =	shalt  }
0x84: {  	_ =	shalt  }
0x85: {  	_ =	shalt  }
0x86: {  	_ =	shalt  }
0x87: {  	_ =	shalt  }
.Lfunc_end0:
.L_simem_size_0:
called_computation.1_lowered:
.L_overlay_start_0:
0x88: {  	s2 =	sld [smem:$0x3FD9]  }
0x89: {  	s3 =	sld [smem:$0x3FFE];
	_ =	sdelay $0x1  }
0x8a: {  	s1 =	srdreg.scid  }
0x8b: {  	s0 =	sand.u32 $0x1, s1  }
0x8c: {  	s16 =	sshll.u32 s0, $0xA;
	s2 =	sadd.s32 s3, s2  }
0x8d: {  	s2 =	sadd.s32 s2, s16  }
0x8e: {  	[smem:$0x3FC6] =	sst s2  }
0x8f: {  	_ = 	snop  }
0x90: {  	(tm) =	ssettm $0x1  }
0x91: {  	s17 =	sld [smem:$0x3FFB];
	_ =	sdelay $0x3  }
0x92: {  	_ =	strace s17  }
0x93: {  	s2 =	sld [smem:$0x3FFC];
	_ =	sdelay $0x3  }
0x94: {  	_ =	strace s2  }
0x95: {  	s2 =	sld [smem:$0x3FFD];
	_ =	sdelay $0x3  }
0x96: {  	_ =	strace s2  }
0x97: {  	_ =	strace $0x8FFFFFFF  }
0x98: {  	s18 =	sld [smem:$0x3FDB];
	_ =	sdelay $0x1  }
0x99: {  	s19 =	simm.s32 $_scs_section_size  }
0x9a: {  	s4 =	simm.s32 $_size__tile_overlayer_lowered;
	s5 =	simm.s32 $_tile_overlayer_lowered  }
0x9b: {  	s22 =	simm.s32 $0x1BFF;
	s21 =	sshll.u32 s5, $0x1;
	s2 =	sadd.s32 s19, s18  }
0x9c: {  	s6 =	simm.s32 $0x0;
	s20 =	sshll.u32 s4, $0x1;
	s4 =	sadd.s32 s21, s2  }
0x9d: {  	[timem:s6], [sflag:s22] =	dma.local [hbm:s4], s20  }
0x9e: {  	_ =	swait.ge [sflag:s22], s20  }
0x9f: {  	s3 =	ssub.s32 $0x0, s20;
	[sflag:s22] =	ssyncset.done $0x0  }
0xa0: {  	[sflag:s22] =	ssyncadd.s32 s3;
	_ =	sdelay $0x1  }
0xa1: {  	s23 =	simm.s32 $0x1B8B  }
0xa2: {  	_ =	swait.ge [sflag:s23], $0x1  }
0xa3: {  	[sflag:s23] =	ssyncset.done $0x0  }
0xa4: {  	s25 =	simm.s32 $0x1B8E;
	s24 =	sld [smem:$0x3FFE];
	[sflag:s23] =	ssyncadd.s32 $0xFFFFFFFF  }
0xa5: {  	s26 =	simm.s32 $execute0_lowered;
	[smem:$0x3FD2] =	sst s25  }
0xa6: {  	s4 =	sshll.u32 s26, $0x1;
	_ =	strace $0x80000049;
	[dreg:$0x1] =	wrdreg $0xFFFFFFFF  }
0xa7: {  	s28 =	simm.s32 $_size_execute0_lowered;
	s2 =	sadd.s32 s2, s4;
	[dreg:$0x0] =	wrdreg $0x0  }
0xa8: {  	s4 =	sshll.u32 s28, $0x1;
	[dreg:$0x2] =	wrdreg s2  }
0xa9: {  	[dreg:$0x3] =	wrdreg s4  }
0xaa: {  	[dreg:$0x4] =	wrdreg $0xC0  }
0xab: {  	_ =	task [dreg:s6], $0x5FFFF  }
0xac: {  	[dreg:$0x1] =	wrdreg $0xFFFFFFFF  }
0xad: {  	[dreg:$0x0] =	wrdreg $0x60  }
0xae: {  	[dreg:$0x2] =	wrdreg s24  }
0xaf: {  	[dreg:$0x3] =	wrdreg $0x0  }
0xb0: {  	[dreg:$0x4] =	wrdreg $0x9  }
0xb1: {  	_ =	task.clear_ibuf [dreg:s6], $0x5FFFF;
	_ =	strace $0x90000049  }
0xb2: {  	s29 =	simm.s32 $0x9;
	_ =	strace $0x8000004B  }
0xb3: {  	_ =	swait.ge [sflag:s29], $0x1  }
0xb4: {  	[sflag:s29] =	ssyncadd.s32 $0xFFFFFFFF  }
0xb5: {  	_ =	strace $0x9000004B  }
0xb6: {  	_ =	sfence  }
0xb7: {  	s30 =	sld [smem:$0x0];
	_ =	sdelay $0x2  }
0xb8: {  	s31 =	sshll.u32 s1, $0xD;
	s1 =	sshrl.u32 s1, $0x2  }
0xb9: {  	s3 =	sand.u32 $0x4000, s31;
	s1 =	sadd.s32 s1, s30  }
0xba: {  	s0 =	sor.u32 s3, s0;
	s1 =	sshll.u32 s1, $0x11  }
0xbb: {  	s0 =	sor.u32 s1, s0  }
0xbc: {  	s0 =	sadd.s32 $0x8F2B, s0  }
0xbd: {  	[sflag:s0] =	ssyncadd.remote.s32 $0x1  }
0xbe: {  	_ =	sfence.sel $0xFFFF  }
0xbf: {  	[dreg:$0x0] =	wrdreg $0xFFFFFFFF;
	(pc) =	sbr.abs _section_cstart, $3  }
0xc0: {  	[dreg:$0x1] =	wrdreg $0xFFFFFFFF  }
0xc1: {  	_ =	task.clear_ibuf [dreg:s6], $0x2FFFF;
	_ =	strace $0x9FFFFFFF  }
0xc2: {  	(tm) =	ssettm $0x7FFFFFFF  }
0xc3: {  	_ =	shalt  }
tec
execute0_lowered:
.L_overlay_start_1:
0x0: {  	(tag) =	ssettag $0x1  }
0x1: {  	s6 =	rddreg [dreg:$0x0]  }
0x2: {  	s2 =	rddreg [dreg:$0x1]  }
0x3: {  	s0 =	rddreg [dreg:$0x2]  }
0x4: {  	s1 =	stileid.u32;
	s4 =	srdreg.scid  }
0x5: {  	s3 =	simm.s32 $0x0;
	s15 =	simm.s32 $0x50;
	s16 =	simm.s32 $0xA040  }
0x6: {  	s17 =	simm.s32 $0xC840;
	s18 =	simm.s32 $0x1;
	s19 =	simm.s32 $0x2  }
0x7: {  	s20 =	simm.s32 $0x0;
	s7 =	sand.u32 $0x1, s4;
	s8 =	smul.u32 $0x1400, s1  }
0x8: {  	[smem:$0x7FF] =	sst s3;
	s5 =	sshll.u32 s1, $0xC;
	s12 =	smul.u32 $0x28000, s1  }
0x9: {  	s4 =	sadd.s32 $0x1A00, s6;
	s13 =	sshll.u32 s1, $0x6;
	s9 =	smul.u32 $0x14000, s7  }
0xa: {  	_ =	strace $0x8000004A;
	s10 =	sadd.s32 s5, s6;
	s5 =	sadd.s32 $0x59A00, s6  }
0xb: {  	s29 =	ssub.s32 $0x2, s7;
	s7 =	sshll.u32 s7, $0x10;
	s13 =	sor.u32 $0x1C03, s13  }
0xc: {  	s11 =	sshrl.u32 s29, $0x1;
	s30 =	sadd.s32 s7, s10;
	s7 =	sadd.s32 $0x29A00, s10  }
0xd: {  	s31 =	sshrl.u32 s12, $0x2;
	s10 =	simm.s32 $0xF040;
	s12 =	simm.s32 $0x17040  }
0xe: {  	s8 =	sadd.s32 s8, s9;
	s9 =	ssub.s32 s29, s11;
	s14 =	sadd.s32 s31, s2  }
0xf: {  	s11 =	simm.s32 $0x3;
	s8 =	sadd.s32 s8, s6;
	s6 =	sadd.s32 $0x39A00, s30  }
0x10: {  	s9 =	smax.u32 s9, $0x1;
	s14 =	sshrl.u32 s14, $0x3;
	s8 =	sadd.s32 $0x5AE00, s8  }
.LBB2_1:
0x11: {  	[tilespmem:s10], [sflag:$0x3] =	stream.linear.gather [hbm4b:s6+s3], $0x7D00, $0x38;
	[tilespmem:$0x1F040] =	vst v63  }
0x12: {  	_ =	swait.ge [sflag:s11], $0x7D00  }
0x13: {  	[sflag:s11] =	ssyncset.done $0x0  }
0x14: {  	[sflag:s11] =	ssyncadd.s32 $0xFFFF8300  }
0x15: {  	[tilespmem:s12], [sflag:$0x3] =	stream.linear.gather [hbm4b:s7+s3], $0x7E00, $0x38;
	[tilespmem:$0x1F040] =	vst v63  }
0x16: {  	_ =	swait.ge [sflag:s11], $0x7E00  }
0x17: {  	[sflag:s11] =	ssyncset.done $0x0  }
0x18: {  	[sflag:s11] =	ssyncadd.s32 $0xFFFF8200  }
0x19: {  	[spmem:s14], [sflag:s13] =	dma.local [hbm:s5], $0x1400  }
0x1a: {  	_ =	swait.ge [sflag:s11], $0x1400  }
0x1b: {  	[sflag:s11] =	ssyncset.done $0x0  }
0x1c: {  	[sflag:s11] =	ssyncadd.s32 $0xFFFFEC00  }
0x1d: {  	[bflag:$0x0] =	sbarrier.arrive $0xFFFF  }
0x1e: {  	[tilespmem:s16], [sflag:$0x1] =	stream.indirect.gather [hbm4b:s4+s15], $0x80, s12, s15, $0xb8;
	[tilespmem:$0x1F040] =	vst v63  }
0x1f: {  	s21 =	simm.s32 $0x170C0  }
0x20: {  	[tilespmem:s17], [sflag:$0x2] =	stream.indirect.gather [hbm4b:s4+s15], $0x80, s21, s15, $0xb8;
	[tilespmem:$0x1F040] =	vst v63  }
0x21: {  	_ =	swait.ge [sflag:s18], $0x2800  }
0x22: {  	[sflag:s18] =	ssyncset.done $0x0  }
0x23: {  	s29 =	simm.s32 $0xF040;
	[sflag:s18] =	ssyncadd.s32 $0xFFFFD800  }
0x24: {  	[spmem:s2] =	stream.indirect.scatter.add.f32 [tilespmem:s16], [sflag:$0x3], $0x80, s29, s15, $0xb8;
	[tilespmem:$0x1F040] =	vst v63  }
0x25: {  	_ =	swait.ge [sflag:s11], $0x2800  }
0x26: {  	[sflag:s11] =	ssyncset.done $0x0  }
0x27: {  	s30 =	simm.s32 $0x17140;
	[sflag:s11] =	ssyncadd.s32 $0xFFFFD800  }
0x28: {  	[tilespmem:s16], [sflag:$0x1] =	stream.indirect.gather [hbm4b:s4+s15], $0x80, s30, s15, $0xb8;
	[tilespmem:$0x1F040] =	vst v63  }
0x29: {  	_ =	swait.ge [sflag:s19], $0x2800  }
0x2a: {  	[sflag:s19] =	ssyncset.done $0x0  }
0x2b: {  	s31 =	simm.s32 $0xF0C0;
	[sflag:s19] =	ssyncadd.s32 $0xFFFFD800  }
0x2c: {  	[spmem:s2] =	stream.indirect.scatter.add.f32 [tilespmem:s17], [sflag:$0x3], $0x80, s31, s15, $0xb8;
	[tilespmem:$0x1F040] =	vst v63  }
0x2d: {  	_ =	swait.ge [sflag:s11], $0x2800  }
0x2e: {  	s22 =	simm.s32 $0x800;
	s21 =	simm.s32 $0x100;
	[sflag:s11] =	ssyncset.done $0x0  }
.LBB2_2:
0x2f: {  	s23 =	sadd.s32 $0x170C0, s21  }
0x30: {  	[sflag:s11] =	ssyncadd.s32 $0xFFFFD800;
	s24 =	smov.u32 s22;
	s25 =	sadd.s32 $0x400, s22  }
0x31: {  	[tilespmem:s17], [sflag:$0x2] =	stream.indirect.gather [hbm4b:s4+s15], $0x80, s23, s15, $0xb8;
	[tilespmem:$0x1F040] =	vst v63  }
0x32: {  	p0 =	sne.s32 s22, $0x1F000;
	_ =	swait.ge [sflag:s18], $0x2800  }
0x33: {  	[sflag:s18] =	ssyncset.done $0x0  }
0x34: {  	s22 =	sadd.s32 $0xF040, s21;
	[sflag:s18] =	ssyncadd.s32 $0xFFFFD800  }
0x35: {  	[spmem:s2] =	stream.indirect.scatter.add.f32 [tilespmem:s16], [sflag:$0x3], $0x80, s22, s15, $0xb8;
	[tilespmem:$0x1F040] =	vst v63  }
0x36: {  	_ =	swait.ge [sflag:s11], $0x2800  }
0x37: {  	[sflag:s11] =	ssyncset.done $0x0  }
0x38: {  	s22 =	sadd.s32 $0x17140, s21;
	[sflag:s11] =	ssyncadd.s32 $0xFFFFD800  }
0x39: {  	[tilespmem:s16], [sflag:$0x1] =	stream.indirect.gather [hbm4b:s4+s15], $0x80, s22, s15, $0xb8;
	[tilespmem:$0x1F040] =	vst v63  }
0x3a: {  	_ =	swait.ge [sflag:s19], $0x2800  }
.Ltmp0:
0x3b: {  	[sflag:s19] =	ssyncset.done $0x0;
	(pc) =	sbr.rel @p0 .LBB2_2-.Ltmp0, $4  }
0x3c: {  	s21 =	sadd.s32 $0xF0C0, s21;
	[sflag:s19] =	ssyncadd.s32 $0xFFFFD800  }
0x3d: {  	[spmem:s2] =	stream.indirect.scatter.add.f32 [tilespmem:s17], [sflag:$0x3], $0x80, s21, s15, $0xb8;
	[tilespmem:$0x1F040] =	vst v63  }
0x3e: {  	_ =	swait.ge [sflag:s11], $0x2800  }
0x3f: {  	s22 =	smov.u32 s25;
	s21 =	sshra.s32 s24, $0x2;
	[sflag:s11] =	ssyncset.done $0x0  }
0x40: {  	s22 =	sadd.s32 $0x170C0, s21;
	[sflag:s11] =	ssyncadd.s32 $0xFFFFD800  }
0x41: {  	[tilespmem:s17], [sflag:$0x2] =	stream.indirect.gather [hbm4b:s4+s15], $0x80, s22, s15, $0xb8;
	[tilespmem:$0x1F040] =	vst v63  }
0x42: {  	_ =	swait.ge [sflag:s18], $0x2800  }
0x43: {  	[sflag:s18] =	ssyncset.done $0x0  }
0x44: {  	s29 =	sadd.s32 $0xF040, s21;
	[sflag:s18] =	ssyncadd.s32 $0xFFFFD800  }
0x45: {  	[spmem:s2] =	stream.indirect.scatter.add.f32 [tilespmem:s16], [sflag:$0x3], $0x80, s29, s15, $0xb8;
	[tilespmem:$0x1F040] =	vst v63  }
0x46: {  	_ =	swait.ge [sflag:s11], $0x2800  }
0x47: {  	[sflag:s11] =	ssyncset.done $0x0  }
0x48: {  	s30 =	sadd.s32 $0x17140, s21;
	[sflag:s11] =	ssyncadd.s32 $0xFFFFD800  }
0x49: {  	[tilespmem:s16], [sflag:$0x1] =	stream.indirect.gather [hbm4b:s4+s15], $0x80, s30, s15, $0xb8;
	[tilespmem:$0x1F040] =	vst v63  }
0x4a: {  	_ =	swait.ge [sflag:s19], $0x2800  }
0x4b: {  	[sflag:s19] =	ssyncset.done $0x0  }
0x4c: {  	s31 =	sadd.s32 $0xF0C0, s21;
	[sflag:s19] =	ssyncadd.s32 $0xFFFFD800  }
0x4d: {  	[spmem:s2] =	stream.indirect.scatter.add.f32 [tilespmem:s17], [sflag:$0x3], $0x80, s31, s15, $0xb8;
	[tilespmem:$0x1F040] =	vst v63  }
0x4e: {  	_ =	swait.ge [sflag:s11], $0x2800  }
0x4f: {  	[sflag:s11] =	ssyncset.done $0x0  }
0x50: {  	[sflag:s11] =	ssyncadd.s32 $0xFFFFD800  }
0x51: {  	_ =	swait.ge [sflag:s18], $0x2800  }
0x52: {  	s20 =	sadd.s32 $0x1, s20;
	[sflag:s18] =	ssyncset.done $0x0  }
0x53: {  	p0 =	sne.s32 s20, s9;
	[sflag:s18] =	ssyncadd.s32 $0xFFFFD800  }
.Ltmp1:
0x54: {  	[bflag:$0x0] =	sbarrier.arrive $0xFFFF;
	(pc) =	sbr.rel @p0 .LBB2_1-.Ltmp1, $4  }
0x55: {  	[hbm:s8], [sflag:s13] =	dma.local [spmem:s14], $0x1400  }
0x56: {  	_ =	swait.ge [sflag:s11], $0x1400  }
0x57: {  	[sflag:s11] =	ssyncset.done $0x0  }
0x58: {  	[sflag:s11] =	ssyncadd.s32 $0xFFFFEC00  }
0x59: {  	_ =	sfence.sel $0x180000  }
0x5a: {  	[bflag:$0x0] =	sbarrier.arrive $0xFFFF  }
0x5b: {  	p0 =	sne.s32 s1, $0x0;
	_ =	strace $0x9000004A  }
0x5c: {  	s0 =	sadd.s32 @!p0 $0x100000, s0;
	[bflag:$0x2] =	sbarrier.arrive $0xFFFF  }
0x5d: {  	[sflag:s0] =	ssyncadd.tile.s32 @!p0 $0x1;
	_ =	shalt  }
.Lfunc_end2:
_tile_overlayer_lowered:
.L_overlay_start_2:
0x5e: {  	(tag) =	ssettag $0x2  }
0x5f: {  	s0 =	rddreg [dreg:$0x0];
	s2 =	stileid.u32  }
0x60: {  	s1 =	rddreg [dreg:$0x1];
	p0 =	sne.s32 s2, $0x0  }
0x61: {  	s3 =	rddreg [dreg:$0x2];
	[bflag:$0x3] =	sbarrier.arrive $0xFFFF;
	s2 =	simm.s32 @!p0 $0x1C03  }
0x62: {  	[timem:s3], [sflag:s2] =	dma.local @!p0 [hbm:s0], s1  }
0x63: {  	s0 =	simm.s32 @!p0 $0x3  }
0x64: {  	_ =	swait.ge @!p0 [sflag:s0], s1  }
0x65: {  	s1 =	ssub.s32 @!p0 $0x0, s1;
	[sflag:s0] =	ssyncset.done @!p0 $0x0  }
0x66: {  	[sflag:s0] =	ssyncadd.s32 @!p0 s1  }
0x67: {  	[bflag:$0x3] =	sbarrier.arrive $0xFFFF  }
0x68: {  	_ =	shalt  }

</sc_bundles>
